<compile_context>
chip_gen: v7x
topology: tpu7x:2x2x1
jax: 0.10.2.dev20260603
libtpu: 0.0.44.dev20260713+nightly
codegen_flags: <defaults>
</compile_context>

<pallas_src>
import functools
import math

import jax
import jax.numpy as jnp
from jax import lax
from jax.experimental import pallas as pl
from jax.experimental.pallas import tpu as pltpu
from jax.experimental.pallas import tpu_sc as plsc

DIM = 64
SCALE = math.sqrt(DIM)
NW = 32
CHUNK = 128
NCH = 50
LANES = 16
ROWS_PER_IT = 4


def _body(idx_hbm, table_hbm, out_hbm, idx_v, b0, b1, b2, g0, g1, g2,
          o0, o1, o2):
    bufs = (b0, b1, b2)
    gsems = (g0, g1, g2)
    osems = (o0, o1, o2)
    wid = lax.axis_index("s") * 2 + lax.axis_index("c")

    pltpu.sync_copy(idx_hbm.at[wid], idx_v)

    def gather_start(c, b):
        pltpu.async_copy(table_hbm.at[idx_v.at[c]], bufs[b], gsems[b])

    def gather_wait(c, b):
        pltpu.make_async_copy(table_hbm.at[idx_v.at[c]], bufs[b],
                              gsems[b]).wait()

    def out_start(c, b):
        pltpu.async_copy(bufs[b], out_hbm.at[wid, c], osems[b])

    def out_wait(c, b):
        pltpu.make_async_copy(bufs[b], out_hbm.at[wid, c], osems[b]).wait()

    def scale(b):
        buf = bufs[b]

        def row_block(i, carry):
            for u in range(ROWS_PER_IT):
                r = i * ROWS_PER_IT + u
                for k in range(DIM // LANES):
                    sl = pl.ds(k * LANES, LANES)
                    buf[r, sl] = buf[r, sl] * SCALE
            return carry

        lax.fori_loop(0, CHUNK // ROWS_PER_IT, row_block, 0)

    gather_start(0, 0)
    gather_start(1, 1)

    gather_wait(0, 0)
    scale(0)
    out_start(0, 0)
    gather_start(2, 2)

    gather_wait(1, 1)
    scale(1)
    out_start(1, 1)
    out_wait(0, 0)
    gather_start(3, 0)

    def trio(t, carry):
        j = 2 + 3 * t
        for b3 in range(3):
            c = j + b3
            bb = (2 + b3) % 3
            nb = (bb + 2) % 3
            gather_wait(c, bb)
            scale(bb)
            out_start(c, bb)

            @pl.when(c < NCH - 2)
            def _():
                out_wait(c - 1, nb)
                gather_start(c + 2, nb)

        return carry

    lax.fori_loop(0, (NCH - 2) // 3, trio, 0)

    out_wait(NCH - 3, (NCH - 3) % 3)
    out_wait(NCH - 2, (NCH - 2) % 3)
    out_wait(NCH - 1, (NCH - 1) % 3)


@functools.partial(
    pl.kernel,
    out_type=jax.ShapeDtypeStruct((NW, NCH, CHUNK, DIM), jnp.float32),
    mesh=plsc.VectorSubcoreMesh(core_axis_name="c", subcore_axis_name="s"),
    compiler_params=pltpu.CompilerParams(use_tc_tiling_on_sc=False),
    scratch_types=[
        pltpu.VMEM((NCH, CHUNK), jnp.int32),
        pltpu.VMEM((CHUNK, DIM), jnp.float32),
        pltpu.VMEM((CHUNK, DIM), jnp.float32),
        pltpu.VMEM((CHUNK, DIM), jnp.float32),
        pltpu.SemaphoreType.DMA,
        pltpu.SemaphoreType.DMA,
        pltpu.SemaphoreType.DMA,
        pltpu.SemaphoreType.DMA,
        pltpu.SemaphoreType.DMA,
        pltpu.SemaphoreType.DMA,
    ],
)
def _emb_lookup(idx_hbm, table_hbm, out_hbm, *rest):
    _body(idx_hbm, table_hbm, out_hbm, *rest)


def kernel(input_vec, table):
    b, s = input_vec.shape
    idx = input_vec.astype(jnp.int32).reshape(NW, NCH, CHUNK)
    out = _emb_lookup(idx, table)
    return out.reshape(b, s, DIM)

# --- scband reference (transcript-rebuilt; emitter-appended) ---
"""Pipeline reference for scband-embedding-15779709845764 (READ-ONLY COPY).

The authoritative reference and input builder live on the scoring server;
editing this copy changes nothing except your own understanding.
"""

import math
import jax, jax.numpy as jnp
import numpy as np

VOCAB = 1000000
DIM = 64

def setup_inputs(seed: int = 0) -> dict:
    key = jax.random.key(seed)
    k_idx, k_tab = jax.random.split(key)
    input_vec = jax.random.randint(k_idx, (4096, 50), 0, VOCAB, dtype=jnp.int64) if jax.config.jax_enable_x64 else jax.random.randint(k_idx, (4096, 50), 0, VOCAB, dtype=jnp.int32)
    table = jax.random.normal(k_tab, (VOCAB, DIM), dtype=jnp.float32)
    # padding_idx=0: row 0 is zeroed at init in nn.Embedding
    table = table.at[0].set(0.0)
    return {"input_vec": input_vec, "table": table}

def reference(input_vec, table):
    emb = jnp.take(table, input_vec, axis=0)
    return emb * math.sqrt(DIM)

if __name__ == "__main__":
    import jax
    _d = setup_inputs()
    print(jax.jit(kernel)(*tuple(_d.values())))

</pallas_src>

<mosaic_0001>
#map = affine_map<(d0, d1) -> (0, 0, 0)>
#map1 = affine_map<(d0, d1) -> (0, 0)>
#map2 = affine_map<(d0, d1) -> (0, 0, 0, 0)>
module attributes {stable_mosaic.version = 14 : i64} {
  func.func @_emb_lookup(%arg0: i32, %arg1: i32, %arg2: memref<32x50x128xi32, #tpu.memory_space<hbm>>, %arg3: memref<1000000x64xf32, #tpu.memory_space<hbm>>, %arg4: memref<32x50x128x64xf32, #tpu.memory_space<hbm>>, %arg5: memref<50x128xi32, #tpu.memory_space<vmem>>, %arg6: memref<128x64xf32, #tpu.memory_space<vmem>>, %arg7: memref<128x64xf32, #tpu.memory_space<vmem>>, %arg8: memref<128x64xf32, #tpu.memory_space<vmem>>, %arg9: memref<!tpu.dma_semaphore, #tpu.memory_space<semaphore_mem>>, %arg10: memref<!tpu.dma_semaphore, #tpu.memory_space<semaphore_mem>>, %arg11: memref<!tpu.dma_semaphore, #tpu.memory_space<semaphore_mem>>, %arg12: memref<!tpu.dma_semaphore, #tpu.memory_space<semaphore_mem>>, %arg13: memref<!tpu.dma_semaphore, #tpu.memory_space<semaphore_mem>>, %arg14: memref<!tpu.dma_semaphore, #tpu.memory_space<semaphore_mem>>) attributes {dimension_semantics = [#tpu.dimension_semantics<core_parallel>, #tpu.dimension_semantics<subcore_parallel>], iteration_bounds = array<i64: 2, 16>, scalar_prefetch = 0 : i64, scratch_operands = 10 : i64, tpu.core_type = #tpu.core_type<sc_vector_subcore>, window_params = [{transform_indices = #map}, {transform_indices = #map1}, {transform_indices = #map2}]} {
    %mul3A = arith.constant 2 : i32
    %mul3A_0 = arith.muli %arg1, %mul3A : i32
    %add3A = arith.addi %mul3A_0, %arg0 : i32
    "tpu.region"() ({
      %run_scoped3A = tpu.sem_alloc : memref<!tpu.dma_semaphore, #tpu.memory_space<semaphore_mem>>
      %dma_start3A_112 = arith.constant 0 : i32
      %dma_start3A_113 = arith.constant 0 : i32
      %dma_start3A_114 = tpu.memref_slice %arg2[%add3A, %dma_start3A_112, %dma_start3A_113] : memref<32x50x128xi32, #tpu.memory_space<hbm>> -> memref<1x50x128xi32, #tpu.memory_space<hbm>>
      %dma_start3A_115 = tpu.memref_squeeze %dma_start3A_114 : memref<1x50x128xi32, #tpu.memory_space<hbm>> -> memref<50x128xi32, #tpu.memory_space<hbm>>
      %dma_start3A_116 = arith.constant 0 : i32
      %dma_start3A_117 = arith.constant 0 : i32
      %dma_start3A_118 = tpu.memref_slice %arg2[%add3A, %dma_start3A_116, %dma_start3A_117] : memref<32x50x128xi32, #tpu.memory_space<hbm>> -> memref<1x50x128xi32, #tpu.memory_space<hbm>>
      %dma_start3A_119 = tpu.memref_squeeze %dma_start3A_118 : memref<1x50x128xi32, #tpu.memory_space<hbm>> -> memref<50x128xi32, #tpu.memory_space<hbm>>
      tpu.enqueue_dma source(%dma_start3A_119 : memref<50x128xi32, #tpu.memory_space<hbm>>) target(%arg5 : memref<50x128xi32, #tpu.memory_space<vmem>>) target_semaphore(%run_scoped3A : memref<!tpu.dma_semaphore, #tpu.memory_space<semaphore_mem>>)
      %dma_wait3A_120 = arith.constant 0 : i32
      %dma_wait3A_121 = arith.constant 0 : i32
      %dma_wait3A_122 = tpu.memref_slice %arg2[%add3A, %dma_wait3A_120, %dma_wait3A_121] : memref<32x50x128xi32, #tpu.memory_space<hbm>> -> memref<1x50x128xi32, #tpu.memory_space<hbm>>
      %dma_wait3A_123 = tpu.memref_squeeze %dma_wait3A_122 : memref<1x50x128xi32, #tpu.memory_space<hbm>> -> memref<50x128xi32, #tpu.memory_space<hbm>>
      %dma_wait3A_124 = arith.constant 0 : i32
      %dma_wait3A_125 = arith.constant 0 : i32
      %dma_wait3A_126 = tpu.memref_slice %arg2[%add3A, %dma_wait3A_124, %dma_wait3A_125] : memref<32x50x128xi32, #tpu.memory_space<hbm>> -> memref<1x50x128xi32, #tpu.memory_space<hbm>>
      %dma_wait3A_127 = tpu.memref_squeeze %dma_wait3A_126 : memref<1x50x128xi32, #tpu.memory_space<hbm>> -> memref<50x128xi32, #tpu.memory_space<hbm>>
      tpu.wait_dma2 semaphore(%run_scoped3A : memref<!tpu.dma_semaphore, #tpu.memory_space<semaphore_mem>>) src(%dma_wait3A_127 : memref<50x128xi32, #tpu.memory_space<hbm>>) dst(%arg5 : memref<50x128xi32, #tpu.memory_space<vmem>>)
      tpu.yield
    }) : () -> ()
    %dma_start3A = arith.constant 0 : i32
    %dma_start3A_1 = arith.constant 0 : i32
    %dma_start3A_2 = tpu.memref_slice %arg5[%dma_start3A, %dma_start3A_1] : memref<50x128xi32, #tpu.memory_space<vmem>> -> memref<1x128xi32, #tpu.memory_space<vmem>>
    %dma_start3A_3 = tpu.memref_squeeze %dma_start3A_2 : memref<1x128xi32, #tpu.memory_space<vmem>> -> memref<128xi32, #tpu.memory_space<vmem>>
    %dma_start3A_4 = arith.constant 0 : i32
    %dma_start3A_5 = arith.constant 0 : i32
    %dma_start3A_6 = tpu.memref_slice %arg3[%dma_start3A_4, %dma_start3A_5] : memref<1000000x64xf32, #tpu.memory_space<hbm>> -> memref<1000000x64xf32, #tpu.memory_space<hbm>>
    tpu.enqueue_indirect_dma source(%dma_start3A_6 : memref<1000000x64xf32, #tpu.memory_space<hbm>>) target(%arg6 : memref<128x64xf32, #tpu.memory_space<vmem>>) offsets(%dma_start3A_3 : memref<128xi32, #tpu.memory_space<vmem>>) semaphore(%arg9 : memref<!tpu.dma_semaphore, #tpu.memory_space<semaphore_mem>>)
    %dma_start3A_7 = arith.constant 1 : i32
    %dma_start3A_8 = arith.constant 0 : i32
    %dma_start3A_9 = tpu.memref_slice %arg5[%dma_start3A_7, %dma_start3A_8] : memref<50x128xi32, #tpu.memory_space<vmem>> -> memref<1x128xi32, #tpu.memory_space<vmem>>
    %dma_start3A_10 = tpu.memref_squeeze %dma_start3A_9 : memref<1x128xi32, #tpu.memory_space<vmem>> -> memref<128xi32, #tpu.memory_space<vmem>>
    %dma_start3A_11 = arith.constant 0 : i32
    %dma_start3A_12 = arith.constant 0 : i32
    %dma_start3A_13 = tpu.memref_slice %arg3[%dma_start3A_11, %dma_start3A_12] : memref<1000000x64xf32, #tpu.memory_space<hbm>> -> memref<1000000x64xf32, #tpu.memory_space<hbm>>
    tpu.enqueue_indirect_dma source(%dma_start3A_13 : memref<1000000x64xf32, #tpu.memory_space<hbm>>) target(%arg7 : memref<128x64xf32, #tpu.memory_space<vmem>>) offsets(%dma_start3A_10 : memref<128xi32, #tpu.memory_space<vmem>>) semaphore(%arg10 : memref<!tpu.dma_semaphore, #tpu.memory_space<semaphore_mem>>)
    %dma_wait3A = arith.constant 0 : i32
    %dma_wait3A_14 = arith.constant 0 : i32
    %dma_wait3A_15 = tpu.memref_slice %arg5[%dma_wait3A, %dma_wait3A_14] : memref<50x128xi32, #tpu.memory_space<vmem>> -> memref<1x128xi32, #tpu.memory_space<vmem>>
    %dma_wait3A_16 = tpu.memref_squeeze %dma_wait3A_15 : memref<1x128xi32, #tpu.memory_space<vmem>> -> memref<128xi32, #tpu.memory_space<vmem>>
    %dma_wait3A_17 = arith.constant 0 : i32
    %dma_wait3A_18 = arith.constant 0 : i32
    %dma_wait3A_19 = tpu.memref_slice %arg3[%dma_wait3A_17, %dma_wait3A_18] : memref<1000000x64xf32, #tpu.memory_space<hbm>> -> memref<1000000x64xf32, #tpu.memory_space<hbm>>
    tpu.wait_indirect_dma semaphore(%arg9 : memref<!tpu.dma_semaphore, #tpu.memory_space<semaphore_mem>>) src(%dma_wait3A_19 : memref<1000000x64xf32, #tpu.memory_space<hbm>>) dst(%arg6 : memref<128x64xf32, #tpu.memory_space<vmem>>)
    %scan3A = arith.constant 0 : i32
    %scan3A_20 = arith.constant 0 : i32
    %scan3A_21 = arith.constant 32 : i32
    %scan3A_22 = arith.addi %scan3A_20, %scan3A_21 : i32
    %scan3A_23 = arith.constant 1 : i32
    scf.for %scan3A_112 = %scan3A_20 to %scan3A_22 step %scan3A_23  : i32 {
      %mul3A_113 = arith.constant 4 : i32
      %mul3A_114 = arith.muli %scan3A_112, %mul3A_113 : i32
      %add3A_115 = arith.constant 0 : i32
      %add3A_116 = arith.addi %mul3A_114, %add3A_115 : i32
      %get3A = arith.index_cast %add3A_116 : i32 to index
      %get3A_117 = arith.constant 0 : index
      %get3A_118 = tpu.vector_load %arg6[%get3A, %get3A_117] {strides = array<i32>} : memref<128x64xf32, #tpu.memory_space<vmem>>, vector<1x16xf32>,
      %get3A_119 = vector.shape_cast %get3A_118 : vector<1x16xf32> to vector<16xf32>
      %mul3A_120 = arith.constant 8.000000e+00 : f32
      %mul3A_121 = vector.broadcast %mul3A_120 : f32 to vector<16xf32>
      %mul3A_122 = arith.mulf %get3A_119, %mul3A_121 : vector<16xf32>
      %swap3A = arith.index_cast %add3A_116 : i32 to index
      %swap3A_123 = arith.constant 0 : index
      %swap3A_124 = tpu.vector_load %arg6[%swap3A, %swap3A_123] {strides = array<i32>} : memref<128x64xf32, #tpu.memory_space<vmem>>, vector<1x16xf32>,
      %swap3A_125 = vector.shape_cast %swap3A_124 : vector<1x16xf32> to vector<16xf32>
      %swap3A_126 = vector.shape_cast %mul3A_122 : vector<16xf32> to vector<1x16xf32>
      tpu.vector_store %arg6[%swap3A, %swap3A_123], %swap3A_126 {strides = array<i32>} : memref<128x64xf32, #tpu.memory_space<vmem>>, vector<1x16xf32>,
      %get3A_127 = arith.index_cast %add3A_116 : i32 to index
      %get3A_128 = arith.constant 16 : index
      %get3A_129 = tpu.vector_load %arg6[%get3A_127, %get3A_128] {strides = array<i32>} : memref<128x64xf32, #tpu.memory_space<vmem>>, vector<1x16xf32>,
      %get3A_130 = vector.shape_cast %get3A_129 : vector<1x16xf32> to vector<16xf32>
      %mul3A_131 = arith.constant 8.000000e+00 : f32
      %mul3A_132 = vector.broadcast %mul3A_131 : f32 to vector<16xf32>
      %mul3A_133 = arith.mulf %get3A_130, %mul3A_132 : vector<16xf32>
      %swap3A_134 = arith.index_cast %add3A_116 : i32 to index
      %swap3A_135 = arith.constant 16 : index
      %swap3A_136 = tpu.vector_load %arg6[%swap3A_134, %swap3A_135] {strides = array<i32>} : memref<128x64xf32, #tpu.memory_space<vmem>>, vector<1x16xf32>,
      %swap3A_137 = vector.shape_cast %swap3A_136 : vector<1x16xf32> to vector<16xf32>
      %swap3A_138 = vector.shape_cast %mul3A_133 : vector<16xf32> to vector<1x16xf32>
      tpu.vector_store %arg6[%swap3A_134, %swap3A_135], %swap3A_138 {strides = array<i32>} : memref<128x64xf32, #tpu.memory_space<vmem>>, vector<1x16xf32>,
      %get3A_139 = arith.index_cast %add3A_116 : i32 to index
      %get3A_140 = arith.constant 32 : index
      %get3A_141 = tpu.vector_load %arg6[%get3A_139, %get3A_140] {strides = array<i32>} : memref<128x64xf32, #tpu.memory_space<vmem>>, vector<1x16xf32>,
      %get3A_142 = vector.shape_cast %get3A_141 : vector<1x16xf32> to vector<16xf32>
      %mul3A_143 = arith.constant 8.000000e+00 : f32
      %mul3A_144 = vector.broadcast %mul3A_143 : f32 to vector<16xf32>
      %mul3A_145 = arith.mulf %get3A_142, %mul3A_144 : vector<16xf32>
      %swap3A_146 = arith.index_cast %add3A_116 : i32 to index
      %swap3A_147 = arith.constant 32 : index
      %swap3A_148 = tpu.vector_load %arg6[%swap3A_146, %swap3A_147] {strides = array<i32>} : memref<128x64xf32, #tpu.memory_space<vmem>>, vector<1x16xf32>,
      %swap3A_149 = vector.shape_cast %swap3A_148 : vector<1x16xf32> to vector<16xf32>
      %swap3A_150 = vector.shape_cast %mul3A_145 : vector<16xf32> to vector<1x16xf32>
      tpu.vector_store %arg6[%swap3A_146, %swap3A_147], %swap3A_150 {strides = array<i32>} : memref<128x64xf32, #tpu.memory_space<vmem>>, vector<1x16xf32>,
      %get3A_151 = arith.index_cast %add3A_116 : i32 to index
      %get3A_152 = arith.constant 48 : index
      %get3A_153 = tpu.vector_load %arg6[%get3A_151, %get3A_152] {strides = array<i32>} : memref<128x64xf32, #tpu.memory_space<vmem>>, vector<1x16xf32>,
      %get3A_154 = vector.shape_cast %get3A_153 : vector<1x16xf32> to vector<16xf32>
      %mul3A_155 = arith.constant 8.000000e+00 : f32
      %mul3A_156 = vector.broadcast %mul3A_155 : f32 to vector<16xf32>
      %mul3A_157 = arith.mulf %get3A_154, %mul3A_156 : vector<16xf32>
      %swap3A_158 = arith.index_cast %add3A_116 : i32 to index
      %swap3A_159 = arith.constant 48 : index
      %swap3A_160 = tpu.vector_load %arg6[%swap3A_158, %swap3A_159] {strides = array<i32>} : memref<128x64xf32, #tpu.memory_space<vmem>>, vector<1x16xf32>,
      %swap3A_161 = vector.shape_cast %swap3A_160 : vector<1x16xf32> to vector<16xf32>
      %swap3A_162 = vector.shape_cast %mul3A_157 : vector<16xf32> to vector<1x16xf32>
      tpu.vector_store %arg6[%swap3A_158, %swap3A_159], %swap3A_162 {strides = array<i32>} : memref<128x64xf32, #tpu.memory_space<vmem>>, vector<1x16xf32>,
      %mul3A_163 = arith.constant 4 : i32
      %mul3A_164 = arith.muli %scan3A_112, %mul3A_163 : i32
      %add3A_165 = arith.constant 1 : i32
      %add3A_166 = arith.addi %mul3A_164, %add3A_165 : i32
      %get3A_167 = arith.index_cast %add3A_166 : i32 to index
      %get3A_168 = arith.constant 0 : index
      %get3A_169 = tpu.vector_load %arg6[%get3A_167, %get3A_168] {strides = array<i32>} : memref<128x64xf32, #tpu.memory_space<vmem>>, vector<1x16xf32>,
      %get3A_170 = vector.shape_cast %get3A_169 : vector<1x16xf32> to vector<16xf32>
      %mul3A_171 = arith.constant 8.000000e+00 : f32
      %mul3A_172 = vector.broadcast %mul3A_171 : f32 to vector<16xf32>
      %mul3A_173 = arith.mulf %get3A_170, %mul3A_172 : vector<16xf32>
      %swap3A_174 = arith.index_cast %add3A_166 : i32 to index
      %swap3A_175 = arith.constant 0 : index
      %swap3A_176 = tpu.vector_load %arg6[%swap3A_174, %swap3A_175] {strides = array<i32>} : memref<128x64xf32, #tpu.memory_space<vmem>>, vector<1x16xf32>,
      %swap3A_177 = vector.shape_cast %swap3A_176 : vector<1x16xf32> to vector<16xf32>
      %swap3A_178 = vector.shape_cast %mul3A_173 : vector<16xf32> to vector<1x16xf32>
      tpu.vector_store %arg6[%swap3A_174, %swap3A_175], %swap3A_178 {strides = array<i32>} : memref<128x64xf32, #tpu.memory_space<vmem>>, vector<1x16xf32>,
      %get3A_179 = arith.index_cast %add3A_166 : i32 to index
      %get3A_180 = arith.constant 16 : index
      %get3A_181 = tpu.vector_load %arg6[%get3A_179, %get3A_180] {strides = array<i32>} : memref<128x64xf32, #tpu.memory_space<vmem>>, vector<1x16xf32>,
      %get3A_182 = vector.shape_cast %get3A_181 : vector<1x16xf32> to vector<16xf32>
      %mul3A_183 = arith.constant 8.000000e+00 : f32
      %mul3A_184 = vector.broadcast %mul3A_183 : f32 to vector<16xf32>
      %mul3A_185 = arith.mulf %get3A_182, %mul3A_184 : vector<16xf32>
      %swap3A_186 = arith.index_cast %add3A_166 : i32 to index
      %swap3A_187 = arith.constant 16 : index
      %swap3A_188 = tpu.vector_load %arg6[%swap3A_186, %swap3A_187] {strides = array<i32>} : memref<128x64xf32, #tpu.memory_space<vmem>>, vector<1x16xf32>,
      %swap3A_189 = vector.shape_cast %swap3A_188 : vector<1x16xf32> to vector<16xf32>
      %swap3A_190 = vector.shape_cast %mul3A_185 : vector<16xf32> to vector<1x16xf32>
      tpu.vector_store %arg6[%swap3A_186, %swap3A_187], %swap3A_190 {strides = array<i32>} : memref<128x64xf32, #tpu.memory_space<vmem>>, vector<1x16xf32>,
      %get3A_191 = arith.index_cast %add3A_166 : i32 to index
      %get3A_192 = arith.constant 32 : index
      %get3A_193 = tpu.vector_load %arg6[%get3A_191, %get3A_192] {strides = array<i32>} : memref<128x64xf32, #tpu.memory_space<vmem>>, vector<1x16xf32>,
      %get3A_194 = vector.shape_cast %get3A_193 : vector<1x16xf32> to vector<16xf32>
      %mul3A_195 = arith.constant 8.000000e+00 : f32
      %mul3A_196 = vector.broadcast %mul3A_195 : f32 to vector<16xf32>
      %mul3A_197 = arith.mulf %get3A_194, %mul3A_196 : vector<16xf32>
      %swap3A_198 = arith.index_cast %add3A_166 : i32 to index
      %swap3A_199 = arith.constant 32 : index
      %swap3A_200 = tpu.vector_load %arg6[%swap3A_198, %swap3A_199] {strides = array<i32>} : memref<128x64xf32, #tpu.memory_space<vmem>>, vector<1x16xf32>,
      %swap3A_201 = vector.shape_cast %swap3A_200 : vector<1x16xf32> to vector<16xf32>
      %swap3A_202 = vector.shape_cast %mul3A_197 : vector<16xf32> to vector<1x16xf32>
      tpu.vector_store %arg6[%swap3A_198, %swap3A_199], %swap3A_202 {strides = array<i32>} : memref<128x64xf32, #tpu.memory_space<vmem>>, vector<1x16xf32>,
      %get3A_203 = arith.index_cast %add3A_166 : i32 to index
      %get3A_204 = arith.constant 48 : index
      %get3A_205 = tpu.vector_load %arg6[%get3A_203, %get3A_204] {strides = array<i32>} : memref<128x64xf32, #tpu.memory_space<vmem>>, vector<1x16xf32>,
      %get3A_206 = vector.shape_cast %get3A_205 : vector<1x16xf32> to vector<16xf32>
      %mul3A_207 = arith.constant 8.000000e+00 : f32
      %mul3A_208 = vector.broadcast %mul3A_207 : f32 to vector<16xf32>
      %mul3A_209 = arith.mulf %get3A_206, %mul3A_208 : vector<16xf32>
      %swap3A_210 = arith.index_cast %add3A_166 : i32 to index
      %swap3A_211 = arith.constant 48 : index
      %swap3A_212 = tpu.vector_load %arg6[%swap3A_210, %swap3A_211] {strides = array<i32>} : memref<128x64xf32, #tpu.memory_space<vmem>>, vector<1x16xf32>,
      %swap3A_213 = vector.shape_cast %swap3A_212 : vector<1x16xf32> to vector<16xf32>
      %swap3A_214 = vector.shape_cast %mul3A_209 : vector<16xf32> to vector<1x16xf32>
      tpu.vector_store %arg6[%swap3A_210, %swap3A_211], %swap3A_214 {strides = array<i32>} : memref<128x64xf32, #tpu.memory_space<vmem>>, vector<1x16xf32>,
      %mul3A_215 = arith.constant 4 : i32
      %mul3A_216 = arith.muli %scan3A_112, %mul3A_215 : i32
      %add3A_217 = arith.constant 2 : i32
      %add3A_218 = arith.addi %mul3A_216, %add3A_217 : i32
      %get3A_219 = arith.index_cast %add3A_218 : i32 to index
      %get3A_220 = arith.constant 0 : index
      %get3A_221 = tpu.vector_load %arg6[%get3A_219, %get3A_220] {strides = array<i32>} : memref<128x64xf32, #tpu.memory_space<vmem>>, vector<1x16xf32>,
      %get3A_222 = vector.shape_cast %get3A_221 : vector<1x16xf32> to vector<16xf32>
      %mul3A_223 = arith.constant 8.000000e+00 : f32
      %mul3A_224 = vector.broadcast %mul3A_223 : f32 to vector<16xf32>
      %mul3A_225 = arith.mulf %get3A_222, %mul3A_224 : vector<16xf32>
      %swap3A_226 = arith.index_cast %add3A_218 : i32 to index
      %swap3A_227 = arith.constant 0 : index
      %swap3A_228 = tpu.vector_load %arg6[%swap3A_226, %swap3A_227] {strides = array<i32>} : memref<128x64xf32, #tpu.memory_space<vmem>>, vector<1x16xf32>,
      %swap3A_229 = vector.shape_cast %swap3A_228 : vector<1x16xf32> to vector<16xf32>
      %swap3A_230 = vector.shape_cast %mul3A_225 : vector<16xf32> to vector<1x16xf32>
      tpu.vector_store %arg6[%swap3A_226, %swap3A_227], %swap3A_230 {strides = array<i32>} : memref<128x64xf32, #tpu.memory_space<vmem>>, vector<1x16xf32>,
      %get3A_231 = arith.index_cast %add3A_218 : i32 to index
      %get3A_232 = arith.constant 16 : index
      %get3A_233 = tpu.vector_load %arg6[%get3A_231, %get3A_232] {strides = array<i32>} : memref<128x64xf32, #tpu.memory_space<vmem>>, vector<1x16xf32>,
      %get3A_234 = vector.shape_cast %get3A_233 : vector<1x16xf32> to vector<16xf32>
      %mul3A_235 = arith.constant 8.000000e+00 : f32
      %mul3A_236 = vector.broadcast %mul3A_235 : f32 to vector<16xf32>
      %mul3A_237 = arith.mulf %get3A_234, %mul3A_236 : vector<16xf32>
      %swap3A_238 = arith.index_cast %add3A_218 : i32 to index
      %swap3A_239 = arith.constant 16 : index
      %swap3A_240 = tpu.vector_load %arg6[%swap3A_238, %swap3A_239] {strides = array<i32>} : memref<128x64xf32, #tpu.memory_space<vmem>>, vector<1x16xf32>,
      %swap3A_241 = vector.shape_cast %swap3A_240 : vector<1x16xf32> to vector<16xf32>
      %swap3A_242 = vector.shape_cast %mul3A_237 : vector<16xf32> to vector<1x16xf32>
      tpu.vector_store %arg6[%swap3A_238, %swap3A_239], %swap3A_242 {strides = array<i32>} : memref<128x64xf32, #tpu.memory_space<vmem>>, vector<1x16xf32>,
      %get3A_243 = arith.index_cast %add3A_218 : i32 to index
      %get3A_244 = arith.constant 32 : index
      %get3A_245 = tpu.vector_load %arg6[%get3A_243, %get3A_244] {strides = array<i32>} : memref<128x64xf32, #tpu.memory_space<vmem>>, vector<1x16xf32>,
      %get3A_246 = vector.shape_cast %get3A_245 : vector<1x16xf32> to vector<16xf32>
      %mul3A_247 = arith.constant 8.000000e+00 : f32
      %mul3A_248 = vector.broadcast %mul3A_247 : f32 to vector<16xf32>
      %mul3A_249 = arith.mulf %get3A_246, %mul3A_248 : vector<16xf32>
      %swap3A_250 = arith.index_cast %add3A_218 : i32 to index
      %swap3A_251 = arith.constant 32 : index
      %swap3A_252 = tpu.vector_load %arg6[%swap3A_250, %swap3A_251] {strides = array<i32>} : memref<128x64xf32, #tpu.memory_space<vmem>>, vector<1x16xf32>,
      %swap3A_253 = vector.shape_cast %swap3A_252 : vector<1x16xf32> to vector<16xf32>
      %swap3A_254 = vector.shape_cast %mul3A_249 : vector<16xf32> to vector<1x16xf32>
      tpu.vector_store %arg6[%swap3A_250, %swap3A_251], %swap3A_254 {strides = array<i32>} : memref<128x64xf32, #tpu.memory_space<vmem>>, vector<1x16xf32>,
      %get3A_255 = arith.index_cast %add3A_218 : i32 to index
      %get3A_256 = arith.constant 48 : index
      %get3A_257 = tpu.vector_load %arg6[%get3A_255, %get3A_256] {strides = array<i32>} : memref<128x64xf32, #tpu.memory_space<vmem>>, vector<1x16xf32>,
      %get3A_258 = vector.shape_cast %get3A_257 : vector<1x16xf32> to vector<16xf32>
      %mul3A_259 = arith.constant 8.000000e+00 : f32
      %mul3A_260 = vector.broadcast %mul3A_259 : f32 to vector<16xf32>
      %mul3A_261 = arith.mulf %get3A_258, %mul3A_260 : vector<16xf32>
      %swap3A_262 = arith.index_cast %add3A_218 : i32 to index
      %swap3A_263 = arith.constant 48 : index
      %swap3A_264 = tpu.vector_load %arg6[%swap3A_262, %swap3A_263] {strides = array<i32>} : memref<128x64xf32, #tpu.memory_space<vmem>>, vector<1x16xf32>,
      %swap3A_265 = vector.shape_cast %swap3A_264 : vector<1x16xf32> to vector<16xf32>
      %swap3A_266 = vector.shape_cast %mul3A_261 : vector<16xf32> to vector<1x16xf32>
      tpu.vector_store %arg6[%swap3A_262, %swap3A_263], %swap3A_266 {strides = array<i32>} : memref<128x64xf32, #tpu.memory_space<vmem>>, vector<1x16xf32>,
      %mul3A_267 = arith.constant 4 : i32
      %mul3A_268 = arith.muli %scan3A_112, %mul3A_267 : i32
      %add3A_269 = arith.constant 3 : i32
      %add3A_270 = arith.addi %mul3A_268, %add3A_269 : i32
      %get3A_271 = arith.index_cast %add3A_270 : i32 to index
      %get3A_272 = arith.constant 0 : index
      %get3A_273 = tpu.vector_load %arg6[%get3A_271, %get3A_272] {strides = array<i32>} : memref<128x64xf32, #tpu.memory_space<vmem>>, vector<1x16xf32>,
      %get3A_274 = vector.shape_cast %get3A_273 : vector<1x16xf32> to vector<16xf32>
      %mul3A_275 = arith.constant 8.000000e+00 : f32
      %mul3A_276 = vector.broadcast %mul3A_275 : f32 to vector<16xf32>
      %mul3A_277 = arith.mulf %get3A_274, %mul3A_276 : vector<16xf32>
      %swap3A_278 = arith.index_cast %add3A_270 : i32 to index
      %swap3A_279 = arith.constant 0 : index
      %swap3A_280 = tpu.vector_load %arg6[%swap3A_278, %swap3A_279] {strides = array<i32>} : memref<128x64xf32, #tpu.memory_space<vmem>>, vector<1x16xf32>,
      %swap3A_281 = vector.shape_cast %swap3A_280 : vector<1x16xf32> to vector<16xf32>
      %swap3A_282 = vector.shape_cast %mul3A_277 : vector<16xf32> to vector<1x16xf32>
      tpu.vector_store %arg6[%swap3A_278, %swap3A_279], %swap3A_282 {strides = array<i32>} : memref<128x64xf32, #tpu.memory_space<vmem>>, vector<1x16xf32>,
      %get3A_283 = arith.index_cast %add3A_270 : i32 to index
      %get3A_284 = arith.constant 16 : index
      %get3A_285 = tpu.vector_load %arg6[%get3A_283, %get3A_284] {strides = array<i32>} : memref<128x64xf32, #tpu.memory_space<vmem>>, vector<1x16xf32>,
      %get3A_286 = vector.shape_cast %get3A_285 : vector<1x16xf32> to vector<16xf32>
      %mul3A_287 = arith.constant 8.000000e+00 : f32
      %mul3A_288 = vector.broadcast %mul3A_287 : f32 to vector<16xf32>
      %mul3A_289 = arith.mulf %get3A_286, %mul3A_288 : vector<16xf32>
      %swap3A_290 = arith.index_cast %add3A_270 : i32 to index
      %swap3A_291 = arith.constant 16 : index
      %swap3A_292 = tpu.vector_load %arg6[%swap3A_290, %swap3A_291] {strides = array<i32>} : memref<128x64xf32, #tpu.memory_space<vmem>>, vector<1x16xf32>,
      %swap3A_293 = vector.shape_cast %swap3A_292 : vector<1x16xf32> to vector<16xf32>
      %swap3A_294 = vector.shape_cast %mul3A_289 : vector<16xf32> to vector<1x16xf32>
      tpu.vector_store %arg6[%swap3A_290, %swap3A_291], %swap3A_294 {strides = array<i32>} : memref<128x64xf32, #tpu.memory_space<vmem>>, vector<1x16xf32>,
      %get3A_295 = arith.index_cast %add3A_270 : i32 to index
      %get3A_296 = arith.constant 32 : index
      %get3A_297 = tpu.vector_load %arg6[%get3A_295, %get3A_296] {strides = array<i32>} : memref<128x64xf32, #tpu.memory_space<vmem>>, vector<1x16xf32>,
      %get3A_298 = vector.shape_cast %get3A_297 : vector<1x16xf32> to vector<16xf32>
      %mul3A_299 = arith.constant 8.000000e+00 : f32
      %mul3A_300 = vector.broadcast %mul3A_299 : f32 to vector<16xf32>
      %mul3A_301 = arith.mulf %get3A_298, %mul3A_300 : vector<16xf32>
      %swap3A_302 = arith.index_cast %add3A_270 : i32 to index
      %swap3A_303 = arith.constant 32 : index
      %swap3A_304 = tpu.vector_load %arg6[%swap3A_302, %swap3A_303] {strides = array<i32>} : memref<128x64xf32, #tpu.memory_space<vmem>>, vector<1x16xf32>,
      %swap3A_305 = vector.shape_cast %swap3A_304 : vector<1x16xf32> to vector<16xf32>
      %swap3A_306 = vector.shape_cast %mul3A_301 : vector<16xf32> to vector<1x16xf32>
      tpu.vector_store %arg6[%swap3A_302, %swap3A_303], %swap3A_306 {strides = array<i32>} : memref<128x64xf32, #tpu.memory_space<vmem>>, vector<1x16xf32>,
      %get3A_307 = arith.index_cast %add3A_270 : i32 to index
      %get3A_308 = arith.constant 48 : index
      %get3A_309 = tpu.vector_load %arg6[%get3A_307, %get3A_308] {strides = array<i32>} : memref<128x64xf32, #tpu.memory_space<vmem>>, vector<1x16xf32>,
      %get3A_310 = vector.shape_cast %get3A_309 : vector<1x16xf32> to vector<16xf32>
      %mul3A_311 = arith.constant 8.000000e+00 : f32
      %mul3A_312 = vector.broadcast %mul3A_311 : f32 to vector<16xf32>
      %mul3A_313 = arith.mulf %get3A_310, %mul3A_312 : vector<16xf32>
      %swap3A_314 = arith.index_cast %add3A_270 : i32 to index
      %swap3A_315 = arith.constant 48 : index
      %swap3A_316 = tpu.vector_load %arg6[%swap3A_314, %swap3A_315] {strides = array<i32>} : memref<128x64xf32, #tpu.memory_space<vmem>>, vector<1x16xf32>,
      %swap3A_317 = vector.shape_cast %swap3A_316 : vector<1x16xf32> to vector<16xf32>
      %swap3A_318 = vector.shape_cast %mul3A_313 : vector<16xf32> to vector<1x16xf32>
      tpu.vector_store %arg6[%swap3A_314, %swap3A_315], %swap3A_318 {strides = array<i32>} : memref<128x64xf32, #tpu.memory_space<vmem>>, vector<1x16xf32>,
    }
    %scan3A_24 = arith.constant 32 : i32
    %dma_start3A_25 = arith.constant 0 : i32
    %dma_start3A_26 = arith.constant 0 : i32
    %dma_start3A_27 = arith.constant 0 : i32
    %dma_start3A_28 = tpu.memref_slice %arg4[%add3A, %dma_start3A_25, %dma_start3A_26, %dma_start3A_27] : memref<32x50x128x64xf32, #tpu.memory_space<hbm>> -> memref<1x1x128x64xf32, #tpu.memory_space<hbm>>
    %dma_start3A_29 = tpu.memref_squeeze %dma_start3A_28 : memref<1x1x128x64xf32, #tpu.memory_space<hbm>> -> memref<128x64xf32, #tpu.memory_space<hbm>>
    %dma_start3A_30 = arith.constant 0 : i32
    %dma_start3A_31 = arith.constant 0 : i32
    %dma_start3A_32 = tpu.memref_slice %arg4[%add3A, %dma_start3A_25, %dma_start3A_30, %dma_start3A_31] : memref<32x50x128x64xf32, #tpu.memory_space<hbm>> -> memref<1x1x128x64xf32, #tpu.memory_space<hbm>>
    %dma_start3A_33 = tpu.memref_squeeze %dma_start3A_32 : memref<1x1x128x64xf32, #tpu.memory_space<hbm>> -> memref<128x64xf32, #tpu.memory_space<hbm>>
    tpu.enqueue_dma source(%arg6 : memref<128x64xf32, #tpu.memory_space<vmem>>) target(%dma_start3A_33 : memref<128x64xf32, #tpu.memory_space<hbm>>) target_semaphore(%arg12 : memref<!tpu.dma_semaphore, #tpu.memory_space<semaphore_mem>>)
    %dma_start3A_34 = arith.constant 2 : i32
    %dma_start3A_35 = arith.constant 0 : i32
    %dma_start3A_36 = tpu.memref_slice %arg5[%dma_start3A_34, %dma_start3A_35] : memref<50x128xi32, #tpu.memory_space<vmem>> -> memref<1x128xi32, #tpu.memory_space<vmem>>
    %dma_start3A_37 = tpu.memref_squeeze %dma_start3A_36 : memref<1x128xi32, #tpu.memory_space<vmem>> -> memref<128xi32, #tpu.memory_space<vmem>>
    %dma_start3A_38 = arith.constant 0 : i32
    %dma_start3A_39 = arith.constant 0 : i32
    %dma_start3A_40 = tpu.memref_slice %arg3[%dma_start3A_38, %dma_start3A_39] : memref<1000000x64xf32, #tpu.memory_space<hbm>> -> memref<1000000x64xf32, #tpu.memory_space<hbm>>
    tpu.enqueue_indirect_dma source(%dma_start3A_40 : memref<1000000x64xf32, #tpu.memory_space<hbm>>) target(%arg8 : memref<128x64xf32, #tpu.memory_space<vmem>>) offsets(%dma_start3A_37 : memref<128xi32, #tpu.memory_space<vmem>>) semaphore(%arg11 : memref<!tpu.dma_semaphore, #tpu.memory_space<semaphore_mem>>)
    %dma_wait3A_41 = arith.constant 1 : i32
    %dma_wait3A_42 = arith.constant 0 : i32
    %dma_wait3A_43 = tpu.memref_slice %arg5[%dma_wait3A_41, %dma_wait3A_42] : memref<50x128xi32, #tpu.memory_space<vmem>> -> memref<1x128xi32, #tpu.memory_space<vmem>>
    %dma_wait3A_44 = tpu.memref_squeeze %dma_wait3A_43 : memref<1x128xi32, #tpu.memory_space<vmem>> -> memref<128xi32, #tpu.memory_space<vmem>>
    %dma_wait3A_45 = arith.constant 0 : i32
    %dma_wait3A_46 = arith.constant 0 : i32
    %dma_wait3A_47 = tpu.memref_slice %arg3[%dma_wait3A_45, %dma_wait3A_46] : memref<1000000x64xf32, #tpu.memory_space<hbm>> -> memref<1000000x64xf32, #tpu.memory_space<hbm>>
    tpu.wait_indirect_dma semaphore(%arg10 : memref<!tpu.dma_semaphore, #tpu.memory_space<semaphore_mem>>) src(%dma_wait3A_47 : memref<1000000x64xf32, #tpu.memory_space<hbm>>) dst(%arg7 : memref<128x64xf32, #tpu.memory_space<vmem>>)
    %scan3A_48 = arith.constant 0 : i32
    %scan3A_49 = arith.constant 0 : i32
    %scan3A_50 = arith.constant 32 : i32
    %scan3A_51 = arith.addi %scan3A_49, %scan3A_50 : i32
    %scan3A_52 = arith.constant 1 : i32
    scf.for %scan3A_112 = %scan3A_49 to %scan3A_51 step %scan3A_52  : i32 {
      %mul3A_113 = arith.constant 4 : i32
      %mul3A_114 = arith.muli %scan3A_112, %mul3A_113 : i32
      %add3A_115 = arith.constant 0 : i32
      %add3A_116 = arith.addi %mul3A_114, %add3A_115 : i32
      %get3A = arith.index_cast %add3A_116 : i32 to index
      %get3A_117 = arith.constant 0 : index
      %get3A_118 = tpu.vector_load %arg7[%get3A, %get3A_117] {strides = array<i32>} : memref<128x64xf32, #tpu.memory_space<vmem>>, vector<1x16xf32>,
      %get3A_119 = vector.shape_cast %get3A_118 : vector<1x16xf32> to vector<16xf32>
      %mul3A_120 = arith.constant 8.000000e+00 : f32
      %mul3A_121 = vector.broadcast %mul3A_120 : f32 to vector<16xf32>
      %mul3A_122 = arith.mulf %get3A_119, %mul3A_121 : vector<16xf32>
      %swap3A = arith.index_cast %add3A_116 : i32 to index
      %swap3A_123 = arith.constant 0 : index
      %swap3A_124 = tpu.vector_load %arg7[%swap3A, %swap3A_123] {strides = array<i32>} : memref<128x64xf32, #tpu.memory_space<vmem>>, vector<1x16xf32>,
      %swap3A_125 = vector.shape_cast %swap3A_124 : vector<1x16xf32> to vector<16xf32>
      %swap3A_126 = vector.shape_cast %mul3A_122 : vector<16xf32> to vector<1x16xf32>
      tpu.vector_store %arg7[%swap3A, %swap3A_123], %swap3A_126 {strides = array<i32>} : memref<128x64xf32, #tpu.memory_space<vmem>>, vector<1x16xf32>,
      %get3A_127 = arith.index_cast %add3A_116 : i32 to index
      %get3A_128 = arith.constant 16 : index
      %get3A_129 = tpu.vector_load %arg7[%get3A_127, %get3A_128] {strides = array<i32>} : memref<128x64xf32, #tpu.memory_space<vmem>>, vector<1x16xf32>,
      %get3A_130 = vector.shape_cast %get3A_129 : vector<1x16xf32> to vector<16xf32>
      %mul3A_131 = arith.constant 8.000000e+00 : f32
      %mul3A_132 = vector.broadcast %mul3A_131 : f32 to vector<16xf32>
      %mul3A_133 = arith.mulf %get3A_130, %mul3A_132 : vector<16xf32>
      %swap3A_134 = arith.index_cast %add3A_116 : i32 to index
      %swap3A_135 = arith.constant 16 : index
      %swap3A_136 = tpu.vector_load %arg7[%swap3A_134, %swap3A_135] {strides = array<i32>} : memref<128x64xf32, #tpu.memory_space<vmem>>, vector<1x16xf32>,
      %swap3A_137 = vector.shape_cast %swap3A_136 : vector<1x16xf32> to vector<16xf32>
      %swap3A_138 = vector.shape_cast %mul3A_133 : vector<16xf32> to vector<1x16xf32>
      tpu.vector_store %arg7[%swap3A_134, %swap3A_135], %swap3A_138 {strides = array<i32>} : memref<128x64xf32, #tpu.memory_space<vmem>>, vector<1x16xf32>,
      %get3A_139 = arith.index_cast %add3A_116 : i32 to index
      %get3A_140 = arith.constant 32 : index
      %get3A_141 = tpu.vector_load %arg7[%get3A_139, %get3A_140] {strides = array<i32>} : memref<128x64xf32, #tpu.memory_space<vmem>>, vector<1x16xf32>,
      %get3A_142 = vector.shape_cast %get3A_141 : vector<1x16xf32> to vector<16xf32>
      %mul3A_143 = arith.constant 8.000000e+00 : f32
      %mul3A_144 = vector.broadcast %mul3A_143 : f32 to vector<16xf32>
      %mul3A_145 = arith.mulf %get3A_142, %mul3A_144 : vector<16xf32>
      %swap3A_146 = arith.index_cast %add3A_116 : i32 to index
      %swap3A_147 = arith.constant 32 : index
      %swap3A_148 = tpu.vector_load %arg7[%swap3A_146, %swap3A_147] {strides = array<i32>} : memref<128x64xf32, #tpu.memory_space<vmem>>, vector<1x16xf32>,
      %swap3A_149 = vector.shape_cast %swap3A_148 : vector<1x16xf32> to vector<16xf32>
      %swap3A_150 = vector.shape_cast %mul3A_145 : vector<16xf32> to vector<1x16xf32>
      tpu.vector_store %arg7[%swap3A_146, %swap3A_147], %swap3A_150 {strides = array<i32>} : memref<128x64xf32, #tpu.memory_space<vmem>>, vector<1x16xf32>,
      %get3A_151 = arith.index_cast %add3A_116 : i32 to index
      %get3A_152 = arith.constant 48 : index
      %get3A_153 = tpu.vector_load %arg7[%get3A_151, %get3A_152] {strides = array<i32>} : memref<128x64xf32, #tpu.memory_space<vmem>>, vector<1x16xf32>,
      %get3A_154 = vector.shape_cast %get3A_153 : vector<1x16xf32> to vector<16xf32>
      %mul3A_155 = arith.constant 8.000000e+00 : f32
      %mul3A_156 = vector.broadcast %mul3A_155 : f32 to vector<16xf32>
      %mul3A_157 = arith.mulf %get3A_154, %mul3A_156 : vector<16xf32>
      %swap3A_158 = arith.index_cast %add3A_116 : i32 to index
      %swap3A_159 = arith.constant 48 : index
      %swap3A_160 = tpu.vector_load %arg7[%swap3A_158, %swap3A_159] {strides = array<i32>} : memref<128x64xf32, #tpu.memory_space<vmem>>, vector<1x16xf32>,
      %swap3A_161 = vector.shape_cast %swap3A_160 : vector<1x16xf32> to vector<16xf32>
      %swap3A_162 = vector.shape_cast %mul3A_157 : vector<16xf32> to vector<1x16xf32>
      tpu.vector_store %arg7[%swap3A_158, %swap3A_159], %swap3A_162 {strides = array<i32>} : memref<128x64xf32, #tpu.memory_space<vmem>>, vector<1x16xf32>,
      %mul3A_163 = arith.constant 4 : i32
      %mul3A_164 = arith.muli %scan3A_112, %mul3A_163 : i32
      %add3A_165 = arith.constant 1 : i32
      %add3A_166 = arith.addi %mul3A_164, %add3A_165 : i32
      %get3A_167 = arith.index_cast %add3A_166 : i32 to index
      %get3A_168 = arith.constant 0 : index
      %get3A_169 = tpu.vector_load %arg7[%get3A_167, %get3A_168] {strides = array<i32>} : memref<128x64xf32, #tpu.memory_space<vmem>>, vector<1x16xf32>,
      %get3A_170 = vector.shape_cast %get3A_169 : vector<1x16xf32> to vector<16xf32>
      %mul3A_171 = arith.constant 8.000000e+00 : f32
      %mul3A_172 = vector.broadcast %mul3A_171 : f32 to vector<16xf32>
      %mul3A_173 = arith.mulf %get3A_170, %mul3A_172 : vector<16xf32>
      %swap3A_174 = arith.index_cast %add3A_166 : i32 to index
      %swap3A_175 = arith.constant 0 : index
      %swap3A_176 = tpu.vector_load %arg7[%swap3A_174, %swap3A_175] {strides = array<i32>} : memref<128x64xf32, #tpu.memory_space<vmem>>, vector<1x16xf32>,
      %swap3A_177 = vector.shape_cast %swap3A_176 : vector<1x16xf32> to vector<16xf32>
      %swap3A_178 = vector.shape_cast %mul3A_173 : vector<16xf32> to vector<1x16xf32>
      tpu.vector_store %arg7[%swap3A_174, %swap3A_175], %swap3A_178 {strides = array<i32>} : memref<128x64xf32, #tpu.memory_space<vmem>>, vector<1x16xf32>,
      %get3A_179 = arith.index_cast %add3A_166 : i32 to index
      %get3A_180 = arith.constant 16 : index
      %get3A_181 = tpu.vector_load %arg7[%get3A_179, %get3A_180] {strides = array<i32>} : memref<128x64xf32, #tpu.memory_space<vmem>>, vector<1x16xf32>,
      %get3A_182 = vector.shape_cast %get3A_181 : vector<1x16xf32> to vector<16xf32>
      %mul3A_183 = arith.constant 8.000000e+00 : f32
      %mul3A_184 = vector.broadcast %mul3A_183 : f32 to vector<16xf32>
      %mul3A_185 = arith.mulf %get3A_182, %mul3A_184 : vector<16xf32>
      %swap3A_186 = arith.index_cast %add3A_166 : i32 to index
      %swap3A_187 = arith.constant 16 : index
      %swap3A_188 = tpu.vector_load %arg7[%swap3A_186, %swap3A_187] {strides = array<i32>} : memref<128x64xf32, #tpu.memory_space<vmem>>, vector<1x16xf32>,
      %swap3A_189 = vector.shape_cast %swap3A_188 : vector<1x16xf32> to vector<16xf32>
      %swap3A_190 = vector.shape_cast %mul3A_185 : vector<16xf32> to vector<1x16xf32>
      tpu.vector_store %arg7[%swap3A_186, %swap3A_187], %swap3A_190 {strides = array<i32>} : memref<128x64xf32, #tpu.memory_space<vmem>>, vector<1x16xf32>,
      %get3A_191 = arith.index_cast %add3A_166 : i32 to index
      %get3A_192 = arith.constant 32 : index
      %get3A_193 = tpu.vector_load %arg7[%get3A_191, %get3A_192] {strides = array<i32>} : memref<128x64xf32, #tpu.memory_space<vmem>>, vector<1x16xf32>,
      %get3A_194 = vector.shape_cast %get3A_193 : vector<1x16xf32> to vector<16xf32>
      %mul3A_195 = arith.constant 8.000000e+00 : f32
      %mul3A_196 = vector.broadcast %mul3A_195 : f32 to vector<16xf32>
      %mul3A_197 = arith.mulf %get3A_194, %mul3A_196 : vector<16xf32>
      %swap3A_198 = arith.index_cast %add3A_166 : i32 to index
      %swap3A_199 = arith.constant 32 : index
      %swap3A_200 = tpu.vector_load %arg7[%swap3A_198, %swap3A_199] {strides = array<i32>} : memref<128x64xf32, #tpu.memory_space<vmem>>, vector<1x16xf32>,
      %swap3A_201 = vector.shape_cast %swap3A_200 : vector<1x16xf32> to vector<16xf32>
      %swap3A_202 = vector.shape_cast %mul3A_197 : vector<16xf32> to vector<1x16xf32>
      tpu.vector_store %arg7[%swap3A_198, %swap3A_199], %swap3A_202 {strides = array<i32>} : memref<128x64xf32, #tpu.memory_space<vmem>>, vector<1x16xf32>,
      %get3A_203 = arith.index_cast %add3A_166 : i32 to index
      %get3A_204 = arith.constant 48 : index
      %get3A_205 = tpu.vector_load %arg7[%get3A_203, %get3A_204] {strides = array<i32>} : memref<128x64xf32, #tpu.memory_space<vmem>>, vector<1x16xf32>,
      %get3A_206 = vector.shape_cast %get3A_205 : vector<1x16xf32> to vector<16xf32>
      %mul3A_207 = arith.constant 8.000000e+00 : f32
      %mul3A_208 = vector.broadcast %mul3A_207 : f32 to vector<16xf32>
      %mul3A_209 = arith.mulf %get3A_206, %mul3A_208 : vector<16xf32>
      %swap3A_210 = arith.index_cast %add3A_166 : i32 to index
      %swap3A_211 = arith.constant 48 : index
      %swap3A_212 = tpu.vector_load %arg7[%swap3A_210, %swap3A_211] {strides = array<i32>} : memref<128x64xf32, #tpu.memory_space<vmem>>, vector<1x16xf32>,
      %swap3A_213 = vector.shape_cast %swap3A_212 : vector<1x16xf32> to vector<16xf32>
      %swap3A_214 = vector.shape_cast %mul3A_209 : vector<16xf32> to vector<1x16xf32>
      tpu.vector_store %arg7[%swap3A_210, %swap3A_211], %swap3A_214 {strides = array<i32>} : memref<128x64xf32, #tpu.memory_space<vmem>>, vector<1x16xf32>,
      %mul3A_215 = arith.constant 4 : i32
      %mul3A_216 = arith.muli %scan3A_112, %mul3A_215 : i32
      %add3A_217 = arith.constant 2 : i32
      %add3A_218 = arith.addi %mul3A_216, %add3A_217 : i32
      %get3A_219 = arith.index_cast %add3A_218 : i32 to index
      %get3A_220 = arith.constant 0 : index
      %get3A_221 = tpu.vector_load %arg7[%get3A_219, %get3A_220] {strides = array<i32>} : memref<128x64xf32, #tpu.memory_space<vmem>>, vector<1x16xf32>,
      %get3A_222 = vector.shape_cast %get3A_221 : vector<1x16xf32> to vector<16xf32>
      %mul3A_223 = arith.constant 8.000000e+00 : f32
      %mul3A_224 = vector.broadcast %mul3A_223 : f32 to vector<16xf32>
      %mul3A_225 = arith.mulf %get3A_222, %mul3A_224 : vector<16xf32>
      %swap3A_226 = arith.index_cast %add3A_218 : i32 to index
      %swap3A_227 = arith.constant 0 : index
      %swap3A_228 = tpu.vector_load %arg7[%swap3A_226, %swap3A_227] {strides = array<i32>} : memref<128x64xf32, #tpu.memory_space<vmem>>, vector<1x16xf32>,
      %swap3A_229 = vector.shape_cast %swap3A_228 : vector<1x16xf32> to vector<16xf32>
      %swap3A_230 = vector.shape_cast %mul3A_225 : vector<16xf32> to vector<1x16xf32>
      tpu.vector_store %arg7[%swap3A_226, %swap3A_227], %swap3A_230 {strides = array<i32>} : memref<128x64xf32, #tpu.memory_space<vmem>>, vector<1x16xf32>,
      %get3A_231 = arith.index_cast %add3A_218 : i32 to index
      %get3A_232 = arith.constant 16 : index
      %get3A_233 = tpu.vector_load %arg7[%get3A_231, %get3A_232] {strides = array<i32>} : memref<128x64xf32, #tpu.memory_space<vmem>>, vector<1x16xf32>,
      %get3A_234 = vector.shape_cast %get3A_233 : vector<1x16xf32> to vector<16xf32>
      %mul3A_235 = arith.constant 8.000000e+00 : f32
      %mul3A_236 = vector.broadcast %mul3A_235 : f32 to vector<16xf32>
      %mul3A_237 = arith.mulf %get3A_234, %mul3A_236 : vector<16xf32>
      %swap3A_238 = arith.index_cast %add3A_218 : i32 to index
      %swap3A_239 = arith.constant 16 : index
      %swap3A_240 = tpu.vector_load %arg7[%swap3A_238, %swap3A_239] {strides = array<i32>} : memref<128x64xf32, #tpu.memory_space<vmem>>, vector<1x16xf32>,
      %swap3A_241 = vector.shape_cast %swap3A_240 : vector<1x16xf32> to vector<16xf32>
      %swap3A_242 = vector.shape_cast %mul3A_237 : vector<16xf32> to vector<1x16xf32>
      tpu.vector_store %arg7[%swap3A_238, %swap3A_239], %swap3A_242 {strides = array<i32>} : memref<128x64xf32, #tpu.memory_space<vmem>>, vector<1x16xf32>,
      %get3A_243 = arith.index_cast %add3A_218 : i32 to index
      %get3A_244 = arith.constant 32 : index
      %get3A_245 = tpu.vector_load %arg7[%get3A_243, %get3A_244] {strides = array<i32>} : memref<128x64xf32, #tpu.memory_space<vmem>>, vector<1x16xf32>,
      %get3A_246 = vector.shape_cast %get3A_245 : vector<1x16xf32> to vector<16xf32>
      %mul3A_247 = arith.constant 8.000000e+00 : f32
      %mul3A_248 = vector.broadcast %mul3A_247 : f32 to vector<16xf32>
      %mul3A_249 = arith.mulf %get3A_246, %mul3A_248 : vector<16xf32>
      %swap3A_250 = arith.index_cast %add3A_218 : i32 to index
      %swap3A_251 = arith.constant 32 : index
      %swap3A_252 = tpu.vector_load %arg7[%swap3A_250, %swap3A_251] {strides = array<i32>} : memref<128x64xf32, #tpu.memory_space<vmem>>, vector<1x16xf32>,
      %swap3A_253 = vector.shape_cast %swap3A_252 : vector<1x16xf32> to vector<16xf32>
      %swap3A_254 = vector.shape_cast %mul3A_249 : vector<16xf32> to vector<1x16xf32>
      tpu.vector_store %arg7[%swap3A_250, %swap3A_251], %swap3A_254 {strides = array<i32>} : memref<128x64xf32, #tpu.memory_space<vmem>>, vector<1x16xf32>,
      %get3A_255 = arith.index_cast %add3A_218 : i32 to index
      %get3A_256 = arith.constant 48 : index
      %get3A_257 = tpu.vector_load %arg7[%get3A_255, %get3A_256] {strides = array<i32>} : memref<128x64xf32, #tpu.memory_space<vmem>>, vector<1x16xf32>,
      %get3A_258 = vector.shape_cast %get3A_257 : vector<1x16xf32> to vector<16xf32>
      %mul3A_259 = arith.constant 8.000000e+00 : f32
      %mul3A_260 = vector.broadcast %mul3A_259 : f32 to vector<16xf32>
      %mul3A_261 = arith.mulf %get3A_258, %mul3A_260 : vector<16xf32>
      %swap3A_262 = arith.index_cast %add3A_218 : i32 to index
      %swap3A_263 = arith.constant 48 : index
      %swap3A_264 = tpu.vector_load %arg7[%swap3A_262, %swap3A_263] {strides = array<i32>} : memref<128x64xf32, #tpu.memory_space<vmem>>, vector<1x16xf32>,
      %swap3A_265 = vector.shape_cast %swap3A_264 : vector<1x16xf32> to vector<16xf32>
      %swap3A_266 = vector.shape_cast %mul3A_261 : vector<16xf32> to vector<1x16xf32>
      tpu.vector_store %arg7[%swap3A_262, %swap3A_263], %swap3A_266 {strides = array<i32>} : memref<128x64xf32, #tpu.memory_space<vmem>>, vector<1x16xf32>,
      %mul3A_267 = arith.constant 4 : i32
      %mul3A_268 = arith.muli %scan3A_112, %mul3A_267 : i32
      %add3A_269 = arith.constant 3 : i32
      %add3A_270 = arith.addi %mul3A_268, %add3A_269 : i32
      %get3A_271 = arith.index_cast %add3A_270 : i32 to index
      %get3A_272 = arith.constant 0 : index
      %get3A_273 = tpu.vector_load %arg7[%get3A_271, %get3A_272] {strides = array<i32>} : memref<128x64xf32, #tpu.memory_space<vmem>>, vector<1x16xf32>,
      %get3A_274 = vector.shape_cast %get3A_273 : vector<1x16xf32> to vector<16xf32>
      %mul3A_275 = arith.constant 8.000000e+00 : f32
      %mul3A_276 = vector.broadcast %mul3A_275 : f32 to vector<16xf32>
      %mul3A_277 = arith.mulf %get3A_274, %mul3A_276 : vector<16xf32>
      %swap3A_278 = arith.index_cast %add3A_270 : i32 to index
      %swap3A_279 = arith.constant 0 : index
      %swap3A_280 = tpu.vector_load %arg7[%swap3A_278, %swap3A_279] {strides = array<i32>} : memref<128x64xf32, #tpu.memory_space<vmem>>, vector<1x16xf32>,
      %swap3A_281 = vector.shape_cast %swap3A_280 : vector<1x16xf32> to vector<16xf32>
      %swap3A_282 = vector.shape_cast %mul3A_277 : vector<16xf32> to vector<1x16xf32>
      tpu.vector_store %arg7[%swap3A_278, %swap3A_279], %swap3A_282 {strides = array<i32>} : memref<128x64xf32, #tpu.memory_space<vmem>>, vector<1x16xf32>,
      %get3A_283 = arith.index_cast %add3A_270 : i32 to index
      %get3A_284 = arith.constant 16 : index
      %get3A_285 = tpu.vector_load %arg7[%get3A_283, %get3A_284] {strides = array<i32>} : memref<128x64xf32, #tpu.memory_space<vmem>>, vector<1x16xf32>,
      %get3A_286 = vector.shape_cast %get3A_285 : vector<1x16xf32> to vector<16xf32>
      %mul3A_287 = arith.constant 8.000000e+00 : f32
      %mul3A_288 = vector.broadcast %mul3A_287 : f32 to vector<16xf32>
      %mul3A_289 = arith.mulf %get3A_286, %mul3A_288 : vector<16xf32>
      %swap3A_290 = arith.index_cast %add3A_270 : i32 to index
      %swap3A_291 = arith.constant 16 : index
      %swap3A_292 = tpu.vector_load %arg7[%swap3A_290, %swap3A_291] {strides = array<i32>} : memref<128x64xf32, #tpu.memory_space<vmem>>, vector<1x16xf32>,
      %swap3A_293 = vector.shape_cast %swap3A_292 : vector<1x16xf32> to vector<16xf32>
      %swap3A_294 = vector.shape_cast %mul3A_289 : vector<16xf32> to vector<1x16xf32>
      tpu.vector_store %arg7[%swap3A_290, %swap3A_291], %swap3A_294 {strides = array<i32>} : memref<128x64xf32, #tpu.memory_space<vmem>>, vector<1x16xf32>,
      %get3A_295 = arith.index_cast %add3A_270 : i32 to index
      %get3A_296 = arith.constant 32 : index
      %get3A_297 = tpu.vector_load %arg7[%get3A_295, %get3A_296] {strides = array<i32>} : memref<128x64xf32, #tpu.memory_space<vmem>>, vector<1x16xf32>,
      %get3A_298 = vector.shape_cast %get3A_297 : vector<1x16xf32> to vector<16xf32>
      %mul3A_299 = arith.constant 8.000000e+00 : f32
      %mul3A_300 = vector.broadcast %mul3A_299 : f32 to vector<16xf32>
      %mul3A_301 = arith.mulf %get3A_298, %mul3A_300 : vector<16xf32>
      %swap3A_302 = arith.index_cast %add3A_270 : i32 to index
      %swap3A_303 = arith.constant 32 : index
      %swap3A_304 = tpu.vector_load %arg7[%swap3A_302, %swap3A_303] {strides = array<i32>} : memref<128x64xf32, #tpu.memory_space<vmem>>, vector<1x16xf32>,
      %swap3A_305 = vector.shape_cast %swap3A_304 : vector<1x16xf32> to vector<16xf32>
      %swap3A_306 = vector.shape_cast %mul3A_301 : vector<16xf32> to vector<1x16xf32>
      tpu.vector_store %arg7[%swap3A_302, %swap3A_303], %swap3A_306 {strides = array<i32>} : memref<128x64xf32, #tpu.memory_space<vmem>>, vector<1x16xf32>,
      %get3A_307 = arith.index_cast %add3A_270 : i32 to index
      %get3A_308 = arith.constant 48 : index
      %get3A_309 = tpu.vector_load %arg7[%get3A_307, %get3A_308] {strides = array<i32>} : memref<128x64xf32, #tpu.memory_space<vmem>>, vector<1x16xf32>,
      %get3A_310 = vector.shape_cast %get3A_309 : vector<1x16xf32> to vector<16xf32>
      %mul3A_311 = arith.constant 8.000000e+00 : f32
      %mul3A_312 = vector.broadcast %mul3A_311 : f32 to vector<16xf32>
      %mul3A_313 = arith.mulf %get3A_310, %mul3A_312 : vector<16xf32>
      %swap3A_314 = arith.index_cast %add3A_270 : i32 to index
      %swap3A_315 = arith.constant 48 : index
      %swap3A_316 = tpu.vector_load %arg7[%swap3A_314, %swap3A_315] {strides = array<i32>} : memref<128x64xf32, #tpu.memory_space<vmem>>, vector<1x16xf32>,
      %swap3A_317 = vector.shape_cast %swap3A_316 : vector<1x16xf32> to vector<16xf32>
      %swap3A_318 = vector.shape_cast %mul3A_313 : vector<16xf32> to vector<1x16xf32>
      tpu.vector_store %arg7[%swap3A_314, %swap3A_315], %swap3A_318 {strides = array<i32>} : memref<128x64xf32, #tpu.memory_space<vmem>>, vector<1x16xf32>,
    }
    %scan3A_53 = arith.constant 32 : i32
    %dma_start3A_54 = arith.constant 1 : i32
    %dma_start3A_55 = arith.constant 0 : i32
    %dma_start3A_56 = arith.constant 0 : i32
    %dma_start3A_57 = tpu.memref_slice %arg4[%add3A, %dma_start3A_54, %dma_start3A_55, %dma_start3A_56] : memref<32x50x128x64xf32, #tpu.memory_space<hbm>> -> memref<1x1x128x64xf32, #tpu.memory_space<hbm>>
    %dma_start3A_58 = tpu.memref_squeeze %dma_start3A_57 : memref<1x1x128x64xf32, #tpu.memory_space<hbm>> -> memref<128x64xf32, #tpu.memory_space<hbm>>
    %dma_start3A_59 = arith.constant 0 : i32
    %dma_start3A_60 = arith.constant 0 : i32
    %dma_start3A_61 = tpu.memref_slice %arg4[%add3A, %dma_start3A_54, %dma_start3A_59, %dma_start3A_60] : memref<32x50x128x64xf32, #tpu.memory_space<hbm>> -> memref<1x1x128x64xf32, #tpu.memory_space<hbm>>
    %dma_start3A_62 = tpu.memref_squeeze %dma_start3A_61 : memref<1x1x128x64xf32, #tpu.memory_space<hbm>> -> memref<128x64xf32, #tpu.memory_space<hbm>>
    tpu.enqueue_dma source(%arg7 : memref<128x64xf32, #tpu.memory_space<vmem>>) target(%dma_start3A_62 : memref<128x64xf32, #tpu.memory_space<hbm>>) target_semaphore(%arg13 : memref<!tpu.dma_semaphore, #tpu.memory_space<semaphore_mem>>)
    %dma_wait3A_63 = arith.constant 0 : i32
    %dma_wait3A_64 = arith.constant 0 : i32
    %dma_wait3A_65 = arith.constant 0 : i32
    %dma_wait3A_66 = tpu.memref_slice %arg4[%add3A, %dma_wait3A_63, %dma_wait3A_64, %dma_wait3A_65] : memref<32x50x128x64xf32, #tpu.memory_space<hbm>> -> memref<1x1x128x64xf32, #tpu.memory_space<hbm>>
    %dma_wait3A_67 = tpu.memref_squeeze %dma_wait3A_66 : memref<1x1x128x64xf32, #tpu.memory_space<hbm>> -> memref<128x64xf32, #tpu.memory_space<hbm>>
    %dma_wait3A_68 = arith.constant 0 : i32
    %dma_wait3A_69 = arith.constant 0 : i32
    %dma_wait3A_70 = tpu.memref_slice %arg4[%add3A, %dma_wait3A_63, %dma_wait3A_68, %dma_wait3A_69] : memref<32x50x128x64xf32, #tpu.memory_space<hbm>> -> memref<1x1x128x64xf32, #tpu.memory_space<hbm>>
    %dma_wait3A_71 = tpu.memref_squeeze %dma_wait3A_70 : memref<1x1x128x64xf32, #tpu.memory_space<hbm>> -> memref<128x64xf32, #tpu.memory_space<hbm>>
    tpu.wait_dma2 semaphore(%arg12 : memref<!tpu.dma_semaphore, #tpu.memory_space<semaphore_mem>>) src(%arg6 : memref<128x64xf32, #tpu.memory_space<vmem>>) dst(%dma_wait3A_71 : memref<128x64xf32, #tpu.memory_space<hbm>>)
    %dma_start3A_72 = arith.constant 3 : i32
    %dma_start3A_73 = arith.constant 0 : i32
    %dma_start3A_74 = tpu.memref_slice %arg5[%dma_start3A_72, %dma_start3A_73] : memref<50x128xi32, #tpu.memory_space<vmem>> -> memref<1x128xi32, #tpu.memory_space<vmem>>
    %dma_start3A_75 = tpu.memref_squeeze %dma_start3A_74 : memref<1x128xi32, #tpu.memory_space<vmem>> -> memref<128xi32, #tpu.memory_space<vmem>>
    %dma_start3A_76 = arith.constant 0 : i32
    %dma_start3A_77 = arith.constant 0 : i32
    %dma_start3A_78 = tpu.memref_slice %arg3[%dma_start3A_76, %dma_start3A_77] : memref<1000000x64xf32, #tpu.memory_space<hbm>> -> memref<1000000x64xf32, #tpu.memory_space<hbm>>
    tpu.enqueue_indirect_dma source(%dma_start3A_78 : memref<1000000x64xf32, #tpu.memory_space<hbm>>) target(%arg6 : memref<128x64xf32, #tpu.memory_space<vmem>>) offsets(%dma_start3A_75 : memref<128xi32, #tpu.memory_space<vmem>>) semaphore(%arg9 : memref<!tpu.dma_semaphore, #tpu.memory_space<semaphore_mem>>)
    %scan3A_79 = arith.constant 0 : i32
    %scan3A_80 = arith.constant 0 : i32
    %scan3A_81 = arith.constant 16 : i32
    %scan3A_82 = arith.addi %scan3A_80, %scan3A_81 : i32
    %scan3A_83 = arith.constant 1 : i32
    scf.for %scan3A_112 = %scan3A_80 to %scan3A_82 step %scan3A_83  : i32 {
      %mul3A_113 = arith.constant 3 : i32
      %mul3A_114 = arith.muli %mul3A_113, %scan3A_112 : i32
      %add3A_115 = arith.constant 2 : i32
      %add3A_116 = arith.addi %add3A_115, %mul3A_114 : i32
      %add3A_117 = arith.constant 0 : i32
      %add3A_118 = arith.addi %add3A_116, %add3A_117 : i32
      %dma_wait3A_119 = arith.constant 0 : i32
      %dma_wait3A_120 = tpu.memref_slice %arg5[%add3A_118, %dma_wait3A_119] : memref<50x128xi32, #tpu.memory_space<vmem>> -> memref<1x128xi32, #tpu.memory_space<vmem>>
      %dma_wait3A_121 = tpu.memref_squeeze %dma_wait3A_120 : memref<1x128xi32, #tpu.memory_space<vmem>> -> memref<128xi32, #tpu.memory_space<vmem>>
      %dma_wait3A_122 = arith.constant 0 : i32
      %dma_wait3A_123 = arith.constant 0 : i32
      %dma_wait3A_124 = tpu.memref_slice %arg3[%dma_wait3A_122, %dma_wait3A_123] : memref<1000000x64xf32, #tpu.memory_space<hbm>> -> memref<1000000x64xf32, #tpu.memory_space<hbm>>
      tpu.wait_indirect_dma semaphore(%arg11 : memref<!tpu.dma_semaphore, #tpu.memory_space<semaphore_mem>>) src(%dma_wait3A_124 : memref<1000000x64xf32, #tpu.memory_space<hbm>>) dst(%arg8 : memref<128x64xf32, #tpu.memory_space<vmem>>)
      %scan3A_125 = arith.constant 0 : i32
      %scan3A_126 = arith.constant 0 : i32
      %scan3A_127 = arith.constant 32 : i32
      %scan3A_128 = arith.addi %scan3A_126, %scan3A_127 : i32
      %scan3A_129 = arith.constant 1 : i32
      scf.for %scan3A_195 = %scan3A_126 to %scan3A_128 step %scan3A_129  : i32 {
        %mul3A_196 = arith.constant 4 : i32
        %mul3A_197 = arith.muli %scan3A_195, %mul3A_196 : i32
        %add3A_198 = arith.constant 0 : i32
        %add3A_199 = arith.addi %mul3A_197, %add3A_198 : i32
        %get3A = arith.index_cast %add3A_199 : i32 to index
        %get3A_200 = arith.constant 0 : index
        %get3A_201 = tpu.vector_load %arg8[%get3A, %get3A_200] {strides = array<i32>} : memref<128x64xf32, #tpu.memory_space<vmem>>, vector<1x16xf32>,
        %get3A_202 = vector.shape_cast %get3A_201 : vector<1x16xf32> to vector<16xf32>
        %mul3A_203 = arith.constant 8.000000e+00 : f32
        %mul3A_204 = vector.broadcast %mul3A_203 : f32 to vector<16xf32>
        %mul3A_205 = arith.mulf %get3A_202, %mul3A_204 : vector<16xf32>
        %swap3A = arith.index_cast %add3A_199 : i32 to index
        %swap3A_206 = arith.constant 0 : index
        %swap3A_207 = tpu.vector_load %arg8[%swap3A, %swap3A_206] {strides = array<i32>} : memref<128x64xf32, #tpu.memory_space<vmem>>, vector<1x16xf32>,
        %swap3A_208 = vector.shape_cast %swap3A_207 : vector<1x16xf32> to vector<16xf32>
        %swap3A_209 = vector.shape_cast %mul3A_205 : vector<16xf32> to vector<1x16xf32>
        tpu.vector_store %arg8[%swap3A, %swap3A_206], %swap3A_209 {strides = array<i32>} : memref<128x64xf32, #tpu.memory_space<vmem>>, vector<1x16xf32>,
        %get3A_210 = arith.index_cast %add3A_199 : i32 to index
        %get3A_211 = arith.constant 16 : index
        %get3A_212 = tpu.vector_load %arg8[%get3A_210, %get3A_211] {strides = array<i32>} : memref<128x64xf32, #tpu.memory_space<vmem>>, vector<1x16xf32>,
        %get3A_213 = vector.shape_cast %get3A_212 : vector<1x16xf32> to vector<16xf32>
        %mul3A_214 = arith.constant 8.000000e+00 : f32
        %mul3A_215 = vector.broadcast %mul3A_214 : f32 to vector<16xf32>
        %mul3A_216 = arith.mulf %get3A_213, %mul3A_215 : vector<16xf32>
        %swap3A_217 = arith.index_cast %add3A_199 : i32 to index
        %swap3A_218 = arith.constant 16 : index
        %swap3A_219 = tpu.vector_load %arg8[%swap3A_217, %swap3A_218] {strides = array<i32>} : memref<128x64xf32, #tpu.memory_space<vmem>>, vector<1x16xf32>,
        %swap3A_220 = vector.shape_cast %swap3A_219 : vector<1x16xf32> to vector<16xf32>
        %swap3A_221 = vector.shape_cast %mul3A_216 : vector<16xf32> to vector<1x16xf32>
        tpu.vector_store %arg8[%swap3A_217, %swap3A_218], %swap3A_221 {strides = array<i32>} : memref<128x64xf32, #tpu.memory_space<vmem>>, vector<1x16xf32>,
        %get3A_222 = arith.index_cast %add3A_199 : i32 to index
        %get3A_223 = arith.constant 32 : index
        %get3A_224 = tpu.vector_load %arg8[%get3A_222, %get3A_223] {strides = array<i32>} : memref<128x64xf32, #tpu.memory_space<vmem>>, vector<1x16xf32>,
        %get3A_225 = vector.shape_cast %get3A_224 : vector<1x16xf32> to vector<16xf32>
        %mul3A_226 = arith.constant 8.000000e+00 : f32
        %mul3A_227 = vector.broadcast %mul3A_226 : f32 to vector<16xf32>
        %mul3A_228 = arith.mulf %get3A_225, %mul3A_227 : vector<16xf32>
        %swap3A_229 = arith.index_cast %add3A_199 : i32 to index
        %swap3A_230 = arith.constant 32 : index
        %swap3A_231 = tpu.vector_load %arg8[%swap3A_229, %swap3A_230] {strides = array<i32>} : memref<128x64xf32, #tpu.memory_space<vmem>>, vector<1x16xf32>,
        %swap3A_232 = vector.shape_cast %swap3A_231 : vector<1x16xf32> to vector<16xf32>
        %swap3A_233 = vector.shape_cast %mul3A_228 : vector<16xf32> to vector<1x16xf32>
        tpu.vector_store %arg8[%swap3A_229, %swap3A_230], %swap3A_233 {strides = array<i32>} : memref<128x64xf32, #tpu.memory_space<vmem>>, vector<1x16xf32>,
        %get3A_234 = arith.index_cast %add3A_199 : i32 to index
        %get3A_235 = arith.constant 48 : index
        %get3A_236 = tpu.vector_load %arg8[%get3A_234, %get3A_235] {strides = array<i32>} : memref<128x64xf32, #tpu.memory_space<vmem>>, vector<1x16xf32>,
        %get3A_237 = vector.shape_cast %get3A_236 : vector<1x16xf32> to vector<16xf32>
        %mul3A_238 = arith.constant 8.000000e+00 : f32
        %mul3A_239 = vector.broadcast %mul3A_238 : f32 to vector<16xf32>
        %mul3A_240 = arith.mulf %get3A_237, %mul3A_239 : vector<16xf32>
        %swap3A_241 = arith.index_cast %add3A_199 : i32 to index
        %swap3A_242 = arith.constant 48 : index
        %swap3A_243 = tpu.vector_load %arg8[%swap3A_241, %swap3A_242] {strides = array<i32>} : memref<128x64xf32, #tpu.memory_space<vmem>>, vector<1x16xf32>,
        %swap3A_244 = vector.shape_cast %swap3A_243 : vector<1x16xf32> to vector<16xf32>
        %swap3A_245 = vector.shape_cast %mul3A_240 : vector<16xf32> to vector<1x16xf32>
        tpu.vector_store %arg8[%swap3A_241, %swap3A_242], %swap3A_245 {strides = array<i32>} : memref<128x64xf32, #tpu.memory_space<vmem>>, vector<1x16xf32>,
        %mul3A_246 = arith.constant 4 : i32
        %mul3A_247 = arith.muli %scan3A_195, %mul3A_246 : i32
        %add3A_248 = arith.constant 1 : i32
        %add3A_249 = arith.addi %mul3A_247, %add3A_248 : i32
        %get3A_250 = arith.index_cast %add3A_249 : i32 to index
        %get3A_251 = arith.constant 0 : index
        %get3A_252 = tpu.vector_load %arg8[%get3A_250, %get3A_251] {strides = array<i32>} : memref<128x64xf32, #tpu.memory_space<vmem>>, vector<1x16xf32>,
        %get3A_253 = vector.shape_cast %get3A_252 : vector<1x16xf32> to vector<16xf32>
        %mul3A_254 = arith.constant 8.000000e+00 : f32
        %mul3A_255 = vector.broadcast %mul3A_254 : f32 to vector<16xf32>
        %mul3A_256 = arith.mulf %get3A_253, %mul3A_255 : vector<16xf32>
        %swap3A_257 = arith.index_cast %add3A_249 : i32 to index
        %swap3A_258 = arith.constant 0 : index
        %swap3A_259 = tpu.vector_load %arg8[%swap3A_257, %swap3A_258] {strides = array<i32>} : memref<128x64xf32, #tpu.memory_space<vmem>>, vector<1x16xf32>,
        %swap3A_260 = vector.shape_cast %swap3A_259 : vector<1x16xf32> to vector<16xf32>
        %swap3A_261 = vector.shape_cast %mul3A_256 : vector<16xf32> to vector<1x16xf32>
        tpu.vector_store %arg8[%swap3A_257, %swap3A_258], %swap3A_261 {strides = array<i32>} : memref<128x64xf32, #tpu.memory_space<vmem>>, vector<1x16xf32>,
        %get3A_262 = arith.index_cast %add3A_249 : i32 to index
        %get3A_263 = arith.constant 16 : index
        %get3A_264 = tpu.vector_load %arg8[%get3A_262, %get3A_263] {strides = array<i32>} : memref<128x64xf32, #tpu.memory_space<vmem>>, vector<1x16xf32>,
        %get3A_265 = vector.shape_cast %get3A_264 : vector<1x16xf32> to vector<16xf32>
        %mul3A_266 = arith.constant 8.000000e+00 : f32
        %mul3A_267 = vector.broadcast %mul3A_266 : f32 to vector<16xf32>
        %mul3A_268 = arith.mulf %get3A_265, %mul3A_267 : vector<16xf32>
        %swap3A_269 = arith.index_cast %add3A_249 : i32 to index
        %swap3A_270 = arith.constant 16 : index
        %swap3A_271 = tpu.vector_load %arg8[%swap3A_269, %swap3A_270] {strides = array<i32>} : memref<128x64xf32, #tpu.memory_space<vmem>>, vector<1x16xf32>,
        %swap3A_272 = vector.shape_cast %swap3A_271 : vector<1x16xf32> to vector<16xf32>
        %swap3A_273 = vector.shape_cast %mul3A_268 : vector<16xf32> to vector<1x16xf32>
        tpu.vector_store %arg8[%swap3A_269, %swap3A_270], %swap3A_273 {strides = array<i32>} : memref<128x64xf32, #tpu.memory_space<vmem>>, vector<1x16xf32>,
        %get3A_274 = arith.index_cast %add3A_249 : i32 to index
        %get3A_275 = arith.constant 32 : index
        %get3A_276 = tpu.vector_load %arg8[%get3A_274, %get3A_275] {strides = array<i32>} : memref<128x64xf32, #tpu.memory_space<vmem>>, vector<1x16xf32>,
        %get3A_277 = vector.shape_cast %get3A_276 : vector<1x16xf32> to vector<16xf32>
        %mul3A_278 = arith.constant 8.000000e+00 : f32
        %mul3A_279 = vector.broadcast %mul3A_278 : f32 to vector<16xf32>
        %mul3A_280 = arith.mulf %get3A_277, %mul3A_279 : vector<16xf32>
        %swap3A_281 = arith.index_cast %add3A_249 : i32 to index
        %swap3A_282 = arith.constant 32 : index
        %swap3A_283 = tpu.vector_load %arg8[%swap3A_281, %swap3A_282] {strides = array<i32>} : memref<128x64xf32, #tpu.memory_space<vmem>>, vector<1x16xf32>,
        %swap3A_284 = vector.shape_cast %swap3A_283 : vector<1x16xf32> to vector<16xf32>
        %swap3A_285 = vector.shape_cast %mul3A_280 : vector<16xf32> to vector<1x16xf32>
        tpu.vector_store %arg8[%swap3A_281, %swap3A_282], %swap3A_285 {strides = array<i32>} : memref<128x64xf32, #tpu.memory_space<vmem>>, vector<1x16xf32>,
        %get3A_286 = arith.index_cast %add3A_249 : i32 to index
        %get3A_287 = arith.constant 48 : index
        %get3A_288 = tpu.vector_load %arg8[%get3A_286, %get3A_287] {strides = array<i32>} : memref<128x64xf32, #tpu.memory_space<vmem>>, vector<1x16xf32>,
        %get3A_289 = vector.shape_cast %get3A_288 : vector<1x16xf32> to vector<16xf32>
        %mul3A_290 = arith.constant 8.000000e+00 : f32
        %mul3A_291 = vector.broadcast %mul3A_290 : f32 to vector<16xf32>
        %mul3A_292 = arith.mulf %get3A_289, %mul3A_291 : vector<16xf32>
        %swap3A_293 = arith.index_cast %add3A_249 : i32 to index
        %swap3A_294 = arith.constant 48 : index
        %swap3A_295 = tpu.vector_load %arg8[%swap3A_293, %swap3A_294] {strides = array<i32>} : memref<128x64xf32, #tpu.memory_space<vmem>>, vector<1x16xf32>,
        %swap3A_296 = vector.shape_cast %swap3A_295 : vector<1x16xf32> to vector<16xf32>
        %swap3A_297 = vector.shape_cast %mul3A_292 : vector<16xf32> to vector<1x16xf32>
        tpu.vector_store %arg8[%swap3A_293, %swap3A_294], %swap3A_297 {strides = array<i32>} : memref<128x64xf32, #tpu.memory_space<vmem>>, vector<1x16xf32>,
        %mul3A_298 = arith.constant 4 : i32
        %mul3A_299 = arith.muli %scan3A_195, %mul3A_298 : i32
        %add3A_300 = arith.constant 2 : i32
        %add3A_301 = arith.addi %mul3A_299, %add3A_300 : i32
        %get3A_302 = arith.index_cast %add3A_301 : i32 to index
        %get3A_303 = arith.constant 0 : index
        %get3A_304 = tpu.vector_load %arg8[%get3A_302, %get3A_303] {strides = array<i32>} : memref<128x64xf32, #tpu.memory_space<vmem>>, vector<1x16xf32>,
        %get3A_305 = vector.shape_cast %get3A_304 : vector<1x16xf32> to vector<16xf32>
        %mul3A_306 = arith.constant 8.000000e+00 : f32
        %mul3A_307 = vector.broadcast %mul3A_306 : f32 to vector<16xf32>
        %mul3A_308 = arith.mulf %get3A_305, %mul3A_307 : vector<16xf32>
        %swap3A_309 = arith.index_cast %add3A_301 : i32 to index
        %swap3A_310 = arith.constant 0 : index
        %swap3A_311 = tpu.vector_load %arg8[%swap3A_309, %swap3A_310] {strides = array<i32>} : memref<128x64xf32, #tpu.memory_space<vmem>>, vector<1x16xf32>,
        %swap3A_312 = vector.shape_cast %swap3A_311 : vector<1x16xf32> to vector<16xf32>
        %swap3A_313 = vector.shape_cast %mul3A_308 : vector<16xf32> to vector<1x16xf32>
        tpu.vector_store %arg8[%swap3A_309, %swap3A_310], %swap3A_313 {strides = array<i32>} : memref<128x64xf32, #tpu.memory_space<vmem>>, vector<1x16xf32>,
        %get3A_314 = arith.index_cast %add3A_301 : i32 to index
        %get3A_315 = arith.constant 16 : index
        %get3A_316 = tpu.vector_load %arg8[%get3A_314, %get3A_315] {strides = array<i32>} : memref<128x64xf32, #tpu.memory_space<vmem>>, vector<1x16xf32>,
        %get3A_317 = vector.shape_cast %get3A_316 : vector<1x16xf32> to vector<16xf32>
        %mul3A_318 = arith.constant 8.000000e+00 : f32
        %mul3A_319 = vector.broadcast %mul3A_318 : f32 to vector<16xf32>
        %mul3A_320 = arith.mulf %get3A_317, %mul3A_319 : vector<16xf32>
        %swap3A_321 = arith.index_cast %add3A_301 : i32 to index
        %swap3A_322 = arith.constant 16 : index
        %swap3A_323 = tpu.vector_load %arg8[%swap3A_321, %swap3A_322] {strides = array<i32>} : memref<128x64xf32, #tpu.memory_space<vmem>>, vector<1x16xf32>,
        %swap3A_324 = vector.shape_cast %swap3A_323 : vector<1x16xf32> to vector<16xf32>
        %swap3A_325 = vector.shape_cast %mul3A_320 : vector<16xf32> to vector<1x16xf32>
        tpu.vector_store %arg8[%swap3A_321, %swap3A_322], %swap3A_325 {strides = array<i32>} : memref<128x64xf32, #tpu.memory_space<vmem>>, vector<1x16xf32>,
        %get3A_326 = arith.index_cast %add3A_301 : i32 to index
        %get3A_327 = arith.constant 32 : index
        %get3A_328 = tpu.vector_load %arg8[%get3A_326, %get3A_327] {strides = array<i32>} : memref<128x64xf32, #tpu.memory_space<vmem>>, vector<1x16xf32>,
        %get3A_329 = vector.shape_cast %get3A_328 : vector<1x16xf32> to vector<16xf32>
        %mul3A_330 = arith.constant 8.000000e+00 : f32
        %mul3A_331 = vector.broadcast %mul3A_330 : f32 to vector<16xf32>
        %mul3A_332 = arith.mulf %get3A_329, %mul3A_331 : vector<16xf32>
        %swap3A_333 = arith.index_cast %add3A_301 : i32 to index
        %swap3A_334 = arith.constant 32 : index
        %swap3A_335 = tpu.vector_load %arg8[%swap3A_333, %swap3A_334] {strides = array<i32>} : memref<128x64xf32, #tpu.memory_space<vmem>>, vector<1x16xf32>,
        %swap3A_336 = vector.shape_cast %swap3A_335 : vector<1x16xf32> to vector<16xf32>
        %swap3A_337 = vector.shape_cast %mul3A_332 : vector<16xf32> to vector<1x16xf32>
        tpu.vector_store %arg8[%swap3A_333, %swap3A_334], %swap3A_337 {strides = array<i32>} : memref<128x64xf32, #tpu.memory_space<vmem>>, vector<1x16xf32>,
        %get3A_338 = arith.index_cast %add3A_301 : i32 to index
        %get3A_339 = arith.constant 48 : index
        %get3A_340 = tpu.vector_load %arg8[%get3A_338, %get3A_339] {strides = array<i32>} : memref<128x64xf32, #tpu.memory_space<vmem>>, vector<1x16xf32>,
        %get3A_341 = vector.shape_cast %get3A_340 : vector<1x16xf32> to vector<16xf32>
        %mul3A_342 = arith.constant 8.000000e+00 : f32
        %mul3A_343 = vector.broadcast %mul3A_342 : f32 to vector<16xf32>
        %mul3A_344 = arith.mulf %get3A_341, %mul3A_343 : vector<16xf32>
        %swap3A_345 = arith.index_cast %add3A_301 : i32 to index
        %swap3A_346 = arith.constant 48 : index
        %swap3A_347 = tpu.vector_load %arg8[%swap3A_345, %swap3A_346] {strides = array<i32>} : memref<128x64xf32, #tpu.memory_space<vmem>>, vector<1x16xf32>,
        %swap3A_348 = vector.shape_cast %swap3A_347 : vector<1x16xf32> to vector<16xf32>
        %swap3A_349 = vector.shape_cast %mul3A_344 : vector<16xf32> to vector<1x16xf32>
        tpu.vector_store %arg8[%swap3A_345, %swap3A_346], %swap3A_349 {strides = array<i32>} : memref<128x64xf32, #tpu.memory_space<vmem>>, vector<1x16xf32>,
        %mul3A_350 = arith.constant 4 : i32
        %mul3A_351 = arith.muli %scan3A_195, %mul3A_350 : i32
        %add3A_352 = arith.constant 3 : i32
        %add3A_353 = arith.addi %mul3A_351, %add3A_352 : i32
        %get3A_354 = arith.index_cast %add3A_353 : i32 to index
        %get3A_355 = arith.constant 0 : index
        %get3A_356 = tpu.vector_load %arg8[%get3A_354, %get3A_355] {strides = array<i32>} : memref<128x64xf32, #tpu.memory_space<vmem>>, vector<1x16xf32>,
        %get3A_357 = vector.shape_cast %get3A_356 : vector<1x16xf32> to vector<16xf32>
        %mul3A_358 = arith.constant 8.000000e+00 : f32
        %mul3A_359 = vector.broadcast %mul3A_358 : f32 to vector<16xf32>
        %mul3A_360 = arith.mulf %get3A_357, %mul3A_359 : vector<16xf32>
        %swap3A_361 = arith.index_cast %add3A_353 : i32 to index
        %swap3A_362 = arith.constant 0 : index
        %swap3A_363 = tpu.vector_load %arg8[%swap3A_361, %swap3A_362] {strides = array<i32>} : memref<128x64xf32, #tpu.memory_space<vmem>>, vector<1x16xf32>,
        %swap3A_364 = vector.shape_cast %swap3A_363 : vector<1x16xf32> to vector<16xf32>
        %swap3A_365 = vector.shape_cast %mul3A_360 : vector<16xf32> to vector<1x16xf32>
        tpu.vector_store %arg8[%swap3A_361, %swap3A_362], %swap3A_365 {strides = array<i32>} : memref<128x64xf32, #tpu.memory_space<vmem>>, vector<1x16xf32>,
        %get3A_366 = arith.index_cast %add3A_353 : i32 to index
        %get3A_367 = arith.constant 16 : index
        %get3A_368 = tpu.vector_load %arg8[%get3A_366, %get3A_367] {strides = array<i32>} : memref<128x64xf32, #tpu.memory_space<vmem>>, vector<1x16xf32>,
        %get3A_369 = vector.shape_cast %get3A_368 : vector<1x16xf32> to vector<16xf32>
        %mul3A_370 = arith.constant 8.000000e+00 : f32
        %mul3A_371 = vector.broadcast %mul3A_370 : f32 to vector<16xf32>
        %mul3A_372 = arith.mulf %get3A_369, %mul3A_371 : vector<16xf32>
        %swap3A_373 = arith.index_cast %add3A_353 : i32 to index
        %swap3A_374 = arith.constant 16 : index
        %swap3A_375 = tpu.vector_load %arg8[%swap3A_373, %swap3A_374] {strides = array<i32>} : memref<128x64xf32, #tpu.memory_space<vmem>>, vector<1x16xf32>,
        %swap3A_376 = vector.shape_cast %swap3A_375 : vector<1x16xf32> to vector<16xf32>
        %swap3A_377 = vector.shape_cast %mul3A_372 : vector<16xf32> to vector<1x16xf32>
        tpu.vector_store %arg8[%swap3A_373, %swap3A_374], %swap3A_377 {strides = array<i32>} : memref<128x64xf32, #tpu.memory_space<vmem>>, vector<1x16xf32>,
        %get3A_378 = arith.index_cast %add3A_353 : i32 to index
        %get3A_379 = arith.constant 32 : index
        %get3A_380 = tpu.vector_load %arg8[%get3A_378, %get3A_379] {strides = array<i32>} : memref<128x64xf32, #tpu.memory_space<vmem>>, vector<1x16xf32>,
        %get3A_381 = vector.shape_cast %get3A_380 : vector<1x16xf32> to vector<16xf32>
        %mul3A_382 = arith.constant 8.000000e+00 : f32
        %mul3A_383 = vector.broadcast %mul3A_382 : f32 to vector<16xf32>
        %mul3A_384 = arith.mulf %get3A_381, %mul3A_383 : vector<16xf32>
        %swap3A_385 = arith.index_cast %add3A_353 : i32 to index
        %swap3A_386 = arith.constant 32 : index
        %swap3A_387 = tpu.vector_load %arg8[%swap3A_385, %swap3A_386] {strides = array<i32>} : memref<128x64xf32, #tpu.memory_space<vmem>>, vector<1x16xf32>,
        %swap3A_388 = vector.shape_cast %swap3A_387 : vector<1x16xf32> to vector<16xf32>
        %swap3A_389 = vector.shape_cast %mul3A_384 : vector<16xf32> to vector<1x16xf32>
        tpu.vector_store %arg8[%swap3A_385, %swap3A_386], %swap3A_389 {strides = array<i32>} : memref<128x64xf32, #tpu.memory_space<vmem>>, vector<1x16xf32>,
        %get3A_390 = arith.index_cast %add3A_353 : i32 to index
        %get3A_391 = arith.constant 48 : index
        %get3A_392 = tpu.vector_load %arg8[%get3A_390, %get3A_391] {strides = array<i32>} : memref<128x64xf32, #tpu.memory_space<vmem>>, vector<1x16xf32>,
        %get3A_393 = vector.shape_cast %get3A_392 : vector<1x16xf32> to vector<16xf32>
        %mul3A_394 = arith.constant 8.000000e+00 : f32
        %mul3A_395 = vector.broadcast %mul3A_394 : f32 to vector<16xf32>
        %mul3A_396 = arith.mulf %get3A_393, %mul3A_395 : vector<16xf32>
        %swap3A_397 = arith.index_cast %add3A_353 : i32 to index
        %swap3A_398 = arith.constant 48 : index
        %swap3A_399 = tpu.vector_load %arg8[%swap3A_397, %swap3A_398] {strides = array<i32>} : memref<128x64xf32, #tpu.memory_space<vmem>>, vector<1x16xf32>,
        %swap3A_400 = vector.shape_cast %swap3A_399 : vector<1x16xf32> to vector<16xf32>
        %swap3A_401 = vector.shape_cast %mul3A_396 : vector<16xf32> to vector<1x16xf32>
        tpu.vector_store %arg8[%swap3A_397, %swap3A_398], %swap3A_401 {strides = array<i32>} : memref<128x64xf32, #tpu.memory_space<vmem>>, vector<1x16xf32>,
      }
      %scan3A_130 = arith.constant 32 : i32
      %dma_start3A_131 = arith.constant 0 : i32
      %dma_start3A_132 = arith.constant 0 : i32
      %dma_start3A_133 = tpu.memref_slice %arg4[%add3A, %add3A_118, %dma_start3A_131, %dma_start3A_132] : memref<32x50x128x64xf32, #tpu.memory_space<hbm>> -> memref<1x1x128x64xf32, #tpu.memory_space<hbm>>
      %dma_start3A_134 = tpu.memref_squeeze %dma_start3A_133 : memref<1x1x128x64xf32, #tpu.memory_space<hbm>> -> memref<128x64xf32, #tpu.memory_space<hbm>>
      %dma_start3A_135 = arith.constant 0 : i32
      %dma_start3A_136 = arith.constant 0 : i32
      %dma_start3A_137 = tpu.memref_slice %arg4[%add3A, %add3A_118, %dma_start3A_135, %dma_start3A_136] : memref<32x50x128x64xf32, #tpu.memory_space<hbm>> -> memref<1x1x128x64xf32, #tpu.memory_space<hbm>>
      %dma_start3A_138 = tpu.memref_squeeze %dma_start3A_137 : memref<1x1x128x64xf32, #tpu.memory_space<hbm>> -> memref<128x64xf32, #tpu.memory_space<hbm>>
      tpu.enqueue_dma source(%arg8 : memref<128x64xf32, #tpu.memory_space<vmem>>) target(%dma_start3A_138 : memref<128x64xf32, #tpu.memory_space<hbm>>) target_semaphore(%arg14 : memref<!tpu.dma_semaphore, #tpu.memory_space<semaphore_mem>>)
      %lt3A = arith.constant 48 : i32
      %lt3A_139 = arith.cmpi slt, %add3A_118, %lt3A : i32
      %convert_element_type3A = arith.extui %lt3A_139 : i1 to i32
      %cond3A = arith.constant 0 : i32
      %cond3A_140 = arith.cmpi ne, %convert_element_type3A, %cond3A : i32
      scf.if %cond3A_140 {
        %sub3A = arith.constant 1 : i32
        %sub3A_195 = arith.subi %add3A_118, %sub3A : i32
        %dma_wait3A_196 = arith.constant 0 : i32
        %dma_wait3A_197 = arith.constant 0 : i32
        %dma_wait3A_198 = tpu.memref_slice %arg4[%add3A, %sub3A_195, %dma_wait3A_196, %dma_wait3A_197] : memref<32x50x128x64xf32, #tpu.memory_space<hbm>> -> memref<1x1x128x64xf32, #tpu.memory_space<hbm>>
        %dma_wait3A_199 = tpu.memref_squeeze %dma_wait3A_198 : memref<1x1x128x64xf32, #tpu.memory_space<hbm>> -> memref<128x64xf32, #tpu.memory_space<hbm>>
        %dma_wait3A_200 = arith.constant 0 : i32
        %dma_wait3A_201 = arith.constant 0 : i32
        %dma_wait3A_202 = tpu.memref_slice %arg4[%add3A, %sub3A_195, %dma_wait3A_200, %dma_wait3A_201] : memref<32x50x128x64xf32, #tpu.memory_space<hbm>> -> memref<1x1x128x64xf32, #tpu.memory_space<hbm>>
        %dma_wait3A_203 = tpu.memref_squeeze %dma_wait3A_202 : memref<1x1x128x64xf32, #tpu.memory_space<hbm>> -> memref<128x64xf32, #tpu.memory_space<hbm>>
        tpu.wait_dma2 semaphore(%arg13 : memref<!tpu.dma_semaphore, #tpu.memory_space<semaphore_mem>>) src(%arg7 : memref<128x64xf32, #tpu.memory_space<vmem>>) dst(%dma_wait3A_203 : memref<128x64xf32, #tpu.memory_space<hbm>>)
        %add3A_204 = arith.constant 2 : i32
        %add3A_205 = arith.addi %add3A_118, %add3A_204 : i32
        %dma_start3A_206 = arith.constant 0 : i32
        %dma_start3A_207 = tpu.memref_slice %arg5[%add3A_205, %dma_start3A_206] : memref<50x128xi32, #tpu.memory_space<vmem>> -> memref<1x128xi32, #tpu.memory_space<vmem>>
        %dma_start3A_208 = tpu.memref_squeeze %dma_start3A_207 : memref<1x128xi32, #tpu.memory_space<vmem>> -> memref<128xi32, #tpu.memory_space<vmem>>
        %dma_start3A_209 = arith.constant 0 : i32
        %dma_start3A_210 = arith.constant 0 : i32
        %dma_start3A_211 = tpu.memref_slice %arg3[%dma_start3A_209, %dma_start3A_210] : memref<1000000x64xf32, #tpu.memory_space<hbm>> -> memref<1000000x64xf32, #tpu.memory_space<hbm>>
        tpu.enqueue_indirect_dma source(%dma_start3A_211 : memref<1000000x64xf32, #tpu.memory_space<hbm>>) target(%arg7 : memref<128x64xf32, #tpu.memory_space<vmem>>) offsets(%dma_start3A_208 : memref<128xi32, #tpu.memory_space<vmem>>) semaphore(%arg10 : memref<!tpu.dma_semaphore, #tpu.memory_space<semaphore_mem>>)
      } else {
      }
      %add3A_141 = arith.constant 1 : i32
      %add3A_142 = arith.addi %add3A_116, %add3A_141 : i32
      %dma_wait3A_143 = arith.constant 0 : i32
      %dma_wait3A_144 = tpu.memref_slice %arg5[%add3A_142, %dma_wait3A_143] : memref<50x128xi32, #tpu.memory_space<vmem>> -> memref<1x128xi32, #tpu.memory_space<vmem>>
      %dma_wait3A_145 = tpu.memref_squeeze %dma_wait3A_144 : memref<1x128xi32, #tpu.memory_space<vmem>> -> memref<128xi32, #tpu.memory_space<vmem>>
      %dma_wait3A_146 = arith.constant 0 : i32
      %dma_wait3A_147 = arith.constant 0 : i32
      %dma_wait3A_148 = tpu.memref_slice %arg3[%dma_wait3A_146, %dma_wait3A_147] : memref<1000000x64xf32, #tpu.memory_space<hbm>> -> memref<1000000x64xf32, #tpu.memory_space<hbm>>
      tpu.wait_indirect_dma semaphore(%arg9 : memref<!tpu.dma_semaphore, #tpu.memory_space<semaphore_mem>>) src(%dma_wait3A_148 : memref<1000000x64xf32, #tpu.memory_space<hbm>>) dst(%arg6 : memref<128x64xf32, #tpu.memory_space<vmem>>)
      %scan3A_149 = arith.constant 0 : i32
      %scan3A_150 = arith.constant 0 : i32
      %scan3A_151 = arith.constant 32 : i32
      %scan3A_152 = arith.addi %scan3A_150, %scan3A_151 : i32
      %scan3A_153 = arith.constant 1 : i32
      scf.for %scan3A_195 = %scan3A_150 to %scan3A_152 step %scan3A_153  : i32 {
        %mul3A_196 = arith.constant 4 : i32
        %mul3A_197 = arith.muli %scan3A_195, %mul3A_196 : i32
        %add3A_198 = arith.constant 0 : i32
        %add3A_199 = arith.addi %mul3A_197, %add3A_198 : i32
        %get3A = arith.index_cast %add3A_199 : i32 to index
        %get3A_200 = arith.constant 0 : index
        %get3A_201 = tpu.vector_load %arg6[%get3A, %get3A_200] {strides = array<i32>} : memref<128x64xf32, #tpu.memory_space<vmem>>, vector<1x16xf32>,
        %get3A_202 = vector.shape_cast %get3A_201 : vector<1x16xf32> to vector<16xf32>
        %mul3A_203 = arith.constant 8.000000e+00 : f32
        %mul3A_204 = vector.broadcast %mul3A_203 : f32 to vector<16xf32>
        %mul3A_205 = arith.mulf %get3A_202, %mul3A_204 : vector<16xf32>
        %swap3A = arith.index_cast %add3A_199 : i32 to index
        %swap3A_206 = arith.constant 0 : index
        %swap3A_207 = tpu.vector_load %arg6[%swap3A, %swap3A_206] {strides = array<i32>} : memref<128x64xf32, #tpu.memory_space<vmem>>, vector<1x16xf32>,
        %swap3A_208 = vector.shape_cast %swap3A_207 : vector<1x16xf32> to vector<16xf32>
        %swap3A_209 = vector.shape_cast %mul3A_205 : vector<16xf32> to vector<1x16xf32>
        tpu.vector_store %arg6[%swap3A, %swap3A_206], %swap3A_209 {strides = array<i32>} : memref<128x64xf32, #tpu.memory_space<vmem>>, vector<1x16xf32>,
        %get3A_210 = arith.index_cast %add3A_199 : i32 to index
        %get3A_211 = arith.constant 16 : index
        %get3A_212 = tpu.vector_load %arg6[%get3A_210, %get3A_211] {strides = array<i32>} : memref<128x64xf32, #tpu.memory_space<vmem>>, vector<1x16xf32>,
        %get3A_213 = vector.shape_cast %get3A_212 : vector<1x16xf32> to vector<16xf32>
        %mul3A_214 = arith.constant 8.000000e+00 : f32
        %mul3A_215 = vector.broadcast %mul3A_214 : f32 to vector<16xf32>
        %mul3A_216 = arith.mulf %get3A_213, %mul3A_215 : vector<16xf32>
        %swap3A_217 = arith.index_cast %add3A_199 : i32 to index
        %swap3A_218 = arith.constant 16 : index
        %swap3A_219 = tpu.vector_load %arg6[%swap3A_217, %swap3A_218] {strides = array<i32>} : memref<128x64xf32, #tpu.memory_space<vmem>>, vector<1x16xf32>,
        %swap3A_220 = vector.shape_cast %swap3A_219 : vector<1x16xf32> to vector<16xf32>
        %swap3A_221 = vector.shape_cast %mul3A_216 : vector<16xf32> to vector<1x16xf32>
        tpu.vector_store %arg6[%swap3A_217, %swap3A_218], %swap3A_221 {strides = array<i32>} : memref<128x64xf32, #tpu.memory_space<vmem>>, vector<1x16xf32>,
        %get3A_222 = arith.index_cast %add3A_199 : i32 to index
        %get3A_223 = arith.constant 32 : index
        %get3A_224 = tpu.vector_load %arg6[%get3A_222, %get3A_223] {strides = array<i32>} : memref<128x64xf32, #tpu.memory_space<vmem>>, vector<1x16xf32>,
        %get3A_225 = vector.shape_cast %get3A_224 : vector<1x16xf32> to vector<16xf32>
        %mul3A_226 = arith.constant 8.000000e+00 : f32
        %mul3A_227 = vector.broadcast %mul3A_226 : f32 to vector<16xf32>
        %mul3A_228 = arith.mulf %get3A_225, %mul3A_227 : vector<16xf32>
        %swap3A_229 = arith.index_cast %add3A_199 : i32 to index
        %swap3A_230 = arith.constant 32 : index
        %swap3A_231 = tpu.vector_load %arg6[%swap3A_229, %swap3A_230] {strides = array<i32>} : memref<128x64xf32, #tpu.memory_space<vmem>>, vector<1x16xf32>,
        %swap3A_232 = vector.shape_cast %swap3A_231 : vector<1x16xf32> to vector<16xf32>
        %swap3A_233 = vector.shape_cast %mul3A_228 : vector<16xf32> to vector<1x16xf32>
        tpu.vector_store %arg6[%swap3A_229, %swap3A_230], %swap3A_233 {strides = array<i32>} : memref<128x64xf32, #tpu.memory_space<vmem>>, vector<1x16xf32>,
        %get3A_234 = arith.index_cast %add3A_199 : i32 to index
        %get3A_235 = arith.constant 48 : index
        %get3A_236 = tpu.vector_load %arg6[%get3A_234, %get3A_235] {strides = array<i32>} : memref<128x64xf32, #tpu.memory_space<vmem>>, vector<1x16xf32>,
        %get3A_237 = vector.shape_cast %get3A_236 : vector<1x16xf32> to vector<16xf32>
        %mul3A_238 = arith.constant 8.000000e+00 : f32
        %mul3A_239 = vector.broadcast %mul3A_238 : f32 to vector<16xf32>
        %mul3A_240 = arith.mulf %get3A_237, %mul3A_239 : vector<16xf32>
        %swap3A_241 = arith.index_cast %add3A_199 : i32 to index
        %swap3A_242 = arith.constant 48 : index
        %swap3A_243 = tpu.vector_load %arg6[%swap3A_241, %swap3A_242] {strides = array<i32>} : memref<128x64xf32, #tpu.memory_space<vmem>>, vector<1x16xf32>,
        %swap3A_244 = vector.shape_cast %swap3A_243 : vector<1x16xf32> to vector<16xf32>
        %swap3A_245 = vector.shape_cast %mul3A_240 : vector<16xf32> to vector<1x16xf32>
        tpu.vector_store %arg6[%swap3A_241, %swap3A_242], %swap3A_245 {strides = array<i32>} : memref<128x64xf32, #tpu.memory_space<vmem>>, vector<1x16xf32>,
        %mul3A_246 = arith.constant 4 : i32
        %mul3A_247 = arith.muli %scan3A_195, %mul3A_246 : i32
        %add3A_248 = arith.constant 1 : i32
        %add3A_249 = arith.addi %mul3A_247, %add3A_248 : i32
        %get3A_250 = arith.index_cast %add3A_249 : i32 to index
        %get3A_251 = arith.constant 0 : index
        %get3A_252 = tpu.vector_load %arg6[%get3A_250, %get3A_251] {strides = array<i32>} : memref<128x64xf32, #tpu.memory_space<vmem>>, vector<1x16xf32>,
        %get3A_253 = vector.shape_cast %get3A_252 : vector<1x16xf32> to vector<16xf32>
        %mul3A_254 = arith.constant 8.000000e+00 : f32
        %mul3A_255 = vector.broadcast %mul3A_254 : f32 to vector<16xf32>
        %mul3A_256 = arith.mulf %get3A_253, %mul3A_255 : vector<16xf32>
        %swap3A_257 = arith.index_cast %add3A_249 : i32 to index
        %swap3A_258 = arith.constant 0 : index
        %swap3A_259 = tpu.vector_load %arg6[%swap3A_257, %swap3A_258] {strides = array<i32>} : memref<128x64xf32, #tpu.memory_space<vmem>>, vector<1x16xf32>,
        %swap3A_260 = vector.shape_cast %swap3A_259 : vector<1x16xf32> to vector<16xf32>
        %swap3A_261 = vector.shape_cast %mul3A_256 : vector<16xf32> to vector<1x16xf32>
        tpu.vector_store %arg6[%swap3A_257, %swap3A_258], %swap3A_261 {strides = array<i32>} : memref<128x64xf32, #tpu.memory_space<vmem>>, vector<1x16xf32>,
        %get3A_262 = arith.index_cast %add3A_249 : i32 to index
        %get3A_263 = arith.constant 16 : index
        %get3A_264 = tpu.vector_load %arg6[%get3A_262, %get3A_263] {strides = array<i32>} : memref<128x64xf32, #tpu.memory_space<vmem>>, vector<1x16xf32>,
        %get3A_265 = vector.shape_cast %get3A_264 : vector<1x16xf32> to vector<16xf32>
        %mul3A_266 = arith.constant 8.000000e+00 : f32
        %mul3A_267 = vector.broadcast %mul3A_266 : f32 to vector<16xf32>
        %mul3A_268 = arith.mulf %get3A_265, %mul3A_267 : vector<16xf32>
        %swap3A_269 = arith.index_cast %add3A_249 : i32 to index
        %swap3A_270 = arith.constant 16 : index
        %swap3A_271 = tpu.vector_load %arg6[%swap3A_269, %swap3A_270] {strides = array<i32>} : memref<128x64xf32, #tpu.memory_space<vmem>>, vector<1x16xf32>,
        %swap3A_272 = vector.shape_cast %swap3A_271 : vector<1x16xf32> to vector<16xf32>
        %swap3A_273 = vector.shape_cast %mul3A_268 : vector<16xf32> to vector<1x16xf32>
        tpu.vector_store %arg6[%swap3A_269, %swap3A_270], %swap3A_273 {strides = array<i32>} : memref<128x64xf32, #tpu.memory_space<vmem>>, vector<1x16xf32>,
        %get3A_274 = arith.index_cast %add3A_249 : i32 to index
        %get3A_275 = arith.constant 32 : index
        %get3A_276 = tpu.vector_load %arg6[%get3A_274, %get3A_275] {strides = array<i32>} : memref<128x64xf32, #tpu.memory_space<vmem>>, vector<1x16xf32>,
        %get3A_277 = vector.shape_cast %get3A_276 : vector<1x16xf32> to vector<16xf32>
        %mul3A_278 = arith.constant 8.000000e+00 : f32
        %mul3A_279 = vector.broadcast %mul3A_278 : f32 to vector<16xf32>
        %mul3A_280 = arith.mulf %get3A_277, %mul3A_279 : vector<16xf32>
        %swap3A_281 = arith.index_cast %add3A_249 : i32 to index
        %swap3A_282 = arith.constant 32 : index
        %swap3A_283 = tpu.vector_load %arg6[%swap3A_281, %swap3A_282] {strides = array<i32>} : memref<128x64xf32, #tpu.memory_space<vmem>>, vector<1x16xf32>,
        %swap3A_284 = vector.shape_cast %swap3A_283 : vector<1x16xf32> to vector<16xf32>
        %swap3A_285 = vector.shape_cast %mul3A_280 : vector<16xf32> to vector<1x16xf32>
        tpu.vector_store %arg6[%swap3A_281, %swap3A_282], %swap3A_285 {strides = array<i32>} : memref<128x64xf32, #tpu.memory_space<vmem>>, vector<1x16xf32>,
        %get3A_286 = arith.index_cast %add3A_249 : i32 to index
        %get3A_287 = arith.constant 48 : index
        %get3A_288 = tpu.vector_load %arg6[%get3A_286, %get3A_287] {strides = array<i32>} : memref<128x64xf32, #tpu.memory_space<vmem>>, vector<1x16xf32>,
        %get3A_289 = vector.shape_cast %get3A_288 : vector<1x16xf32> to vector<16xf32>
        %mul3A_290 = arith.constant 8.000000e+00 : f32
        %mul3A_291 = vector.broadcast %mul3A_290 : f32 to vector<16xf32>
        %mul3A_292 = arith.mulf %get3A_289, %mul3A_291 : vector<16xf32>
        %swap3A_293 = arith.index_cast %add3A_249 : i32 to index
        %swap3A_294 = arith.constant 48 : index
        %swap3A_295 = tpu.vector_load %arg6[%swap3A_293, %swap3A_294] {strides = array<i32>} : memref<128x64xf32, #tpu.memory_space<vmem>>, vector<1x16xf32>,
        %swap3A_296 = vector.shape_cast %swap3A_295 : vector<1x16xf32> to vector<16xf32>
        %swap3A_297 = vector.shape_cast %mul3A_292 : vector<16xf32> to vector<1x16xf32>
        tpu.vector_store %arg6[%swap3A_293, %swap3A_294], %swap3A_297 {strides = array<i32>} : memref<128x64xf32, #tpu.memory_space<vmem>>, vector<1x16xf32>,
        %mul3A_298 = arith.constant 4 : i32
        %mul3A_299 = arith.muli %scan3A_195, %mul3A_298 : i32
        %add3A_300 = arith.constant 2 : i32
        %add3A_301 = arith.addi %mul3A_299, %add3A_300 : i32
        %get3A_302 = arith.index_cast %add3A_301 : i32 to index
        %get3A_303 = arith.constant 0 : index
        %get3A_304 = tpu.vector_load %arg6[%get3A_302, %get3A_303] {strides = array<i32>} : memref<128x64xf32, #tpu.memory_space<vmem>>, vector<1x16xf32>,
        %get3A_305 = vector.shape_cast %get3A_304 : vector<1x16xf32> to vector<16xf32>
        %mul3A_306 = arith.constant 8.000000e+00 : f32
        %mul3A_307 = vector.broadcast %mul3A_306 : f32 to vector<16xf32>
        %mul3A_308 = arith.mulf %get3A_305, %mul3A_307 : vector<16xf32>
        %swap3A_309 = arith.index_cast %add3A_301 : i32 to index
        %swap3A_310 = arith.constant 0 : index
        %swap3A_311 = tpu.vector_load %arg6[%swap3A_309, %swap3A_310] {strides = array<i32>} : memref<128x64xf32, #tpu.memory_space<vmem>>, vector<1x16xf32>,
        %swap3A_312 = vector.shape_cast %swap3A_311 : vector<1x16xf32> to vector<16xf32>
        %swap3A_313 = vector.shape_cast %mul3A_308 : vector<16xf32> to vector<1x16xf32>
        tpu.vector_store %arg6[%swap3A_309, %swap3A_310], %swap3A_313 {strides = array<i32>} : memref<128x64xf32, #tpu.memory_space<vmem>>, vector<1x16xf32>,
        %get3A_314 = arith.index_cast %add3A_301 : i32 to index
        %get3A_315 = arith.constant 16 : index
        %get3A_316 = tpu.vector_load %arg6[%get3A_314, %get3A_315] {strides = array<i32>} : memref<128x64xf32, #tpu.memory_space<vmem>>, vector<1x16xf32>,
        %get3A_317 = vector.shape_cast %get3A_316 : vector<1x16xf32> to vector<16xf32>
        %mul3A_318 = arith.constant 8.000000e+00 : f32
        %mul3A_319 = vector.broadcast %mul3A_318 : f32 to vector<16xf32>
        %mul3A_320 = arith.mulf %get3A_317, %mul3A_319 : vector<16xf32>
        %swap3A_321 = arith.index_cast %add3A_301 : i32 to index
        %swap3A_322 = arith.constant 16 : index
        %swap3A_323 = tpu.vector_load %arg6[%swap3A_321, %swap3A_322] {strides = array<i32>} : memref<128x64xf32, #tpu.memory_space<vmem>>, vector<1x16xf32>,
        %swap3A_324 = vector.shape_cast %swap3A_323 : vector<1x16xf32> to vector<16xf32>
        %swap3A_325 = vector.shape_cast %mul3A_320 : vector<16xf32> to vector<1x16xf32>
        tpu.vector_store %arg6[%swap3A_321, %swap3A_322], %swap3A_325 {strides = array<i32>} : memref<128x64xf32, #tpu.memory_space<vmem>>, vector<1x16xf32>,
        %get3A_326 = arith.index_cast %add3A_301 : i32 to index
        %get3A_327 = arith.constant 32 : index
        %get3A_328 = tpu.vector_load %arg6[%get3A_326, %get3A_327] {strides = array<i32>} : memref<128x64xf32, #tpu.memory_space<vmem>>, vector<1x16xf32>,
        %get3A_329 = vector.shape_cast %get3A_328 : vector<1x16xf32> to vector<16xf32>
        %mul3A_330 = arith.constant 8.000000e+00 : f32
        %mul3A_331 = vector.broadcast %mul3A_330 : f32 to vector<16xf32>
        %mul3A_332 = arith.mulf %get3A_329, %mul3A_331 : vector<16xf32>
        %swap3A_333 = arith.index_cast %add3A_301 : i32 to index
        %swap3A_334 = arith.constant 32 : index
        %swap3A_335 = tpu.vector_load %arg6[%swap3A_333, %swap3A_334] {strides = array<i32>} : memref<128x64xf32, #tpu.memory_space<vmem>>, vector<1x16xf32>,
        %swap3A_336 = vector.shape_cast %swap3A_335 : vector<1x16xf32> to vector<16xf32>
        %swap3A_337 = vector.shape_cast %mul3A_332 : vector<16xf32> to vector<1x16xf32>
        tpu.vector_store %arg6[%swap3A_333, %swap3A_334], %swap3A_337 {strides = array<i32>} : memref<128x64xf32, #tpu.memory_space<vmem>>, vector<1x16xf32>,
        %get3A_338 = arith.index_cast %add3A_301 : i32 to index
        %get3A_339 = arith.constant 48 : index
        %get3A_340 = tpu.vector_load %arg6[%get3A_338, %get3A_339] {strides = array<i32>} : memref<128x64xf32, #tpu.memory_space<vmem>>, vector<1x16xf32>,
        %get3A_341 = vector.shape_cast %get3A_340 : vector<1x16xf32> to vector<16xf32>
        %mul3A_342 = arith.constant 8.000000e+00 : f32
        %mul3A_343 = vector.broadcast %mul3A_342 : f32 to vector<16xf32>
        %mul3A_344 = arith.mulf %get3A_341, %mul3A_343 : vector<16xf32>
        %swap3A_345 = arith.index_cast %add3A_301 : i32 to index
        %swap3A_346 = arith.constant 48 : index
        %swap3A_347 = tpu.vector_load %arg6[%swap3A_345, %swap3A_346] {strides = array<i32>} : memref<128x64xf32, #tpu.memory_space<vmem>>, vector<1x16xf32>,
        %swap3A_348 = vector.shape_cast %swap3A_347 : vector<1x16xf32> to vector<16xf32>
        %swap3A_349 = vector.shape_cast %mul3A_344 : vector<16xf32> to vector<1x16xf32>
        tpu.vector_store %arg6[%swap3A_345, %swap3A_346], %swap3A_349 {strides = array<i32>} : memref<128x64xf32, #tpu.memory_space<vmem>>, vector<1x16xf32>,
        %mul3A_350 = arith.constant 4 : i32
        %mul3A_351 = arith.muli %scan3A_195, %mul3A_350 : i32
        %add3A_352 = arith.constant 3 : i32
        %add3A_353 = arith.addi %mul3A_351, %add3A_352 : i32
        %get3A_354 = arith.index_cast %add3A_353 : i32 to index
        %get3A_355 = arith.constant 0 : index
        %get3A_356 = tpu.vector_load %arg6[%get3A_354, %get3A_355] {strides = array<i32>} : memref<128x64xf32, #tpu.memory_space<vmem>>, vector<1x16xf32>,
        %get3A_357 = vector.shape_cast %get3A_356 : vector<1x16xf32> to vector<16xf32>
        %mul3A_358 = arith.constant 8.000000e+00 : f32
        %mul3A_359 = vector.broadcast %mul3A_358 : f32 to vector<16xf32>
        %mul3A_360 = arith.mulf %get3A_357, %mul3A_359 : vector<16xf32>
        %swap3A_361 = arith.index_cast %add3A_353 : i32 to index
        %swap3A_362 = arith.constant 0 : index
        %swap3A_363 = tpu.vector_load %arg6[%swap3A_361, %swap3A_362] {strides = array<i32>} : memref<128x64xf32, #tpu.memory_space<vmem>>, vector<1x16xf32>,
        %swap3A_364 = vector.shape_cast %swap3A_363 : vector<1x16xf32> to vector<16xf32>
        %swap3A_365 = vector.shape_cast %mul3A_360 : vector<16xf32> to vector<1x16xf32>
        tpu.vector_store %arg6[%swap3A_361, %swap3A_362], %swap3A_365 {strides = array<i32>} : memref<128x64xf32, #tpu.memory_space<vmem>>, vector<1x16xf32>,
        %get3A_366 = arith.index_cast %add3A_353 : i32 to index
        %get3A_367 = arith.constant 16 : index
        %get3A_368 = tpu.vector_load %arg6[%get3A_366, %get3A_367] {strides = array<i32>} : memref<128x64xf32, #tpu.memory_space<vmem>>, vector<1x16xf32>,
        %get3A_369 = vector.shape_cast %get3A_368 : vector<1x16xf32> to vector<16xf32>
        %mul3A_370 = arith.constant 8.000000e+00 : f32
        %mul3A_371 = vector.broadcast %mul3A_370 : f32 to vector<16xf32>
        %mul3A_372 = arith.mulf %get3A_369, %mul3A_371 : vector<16xf32>
        %swap3A_373 = arith.index_cast %add3A_353 : i32 to index
        %swap3A_374 = arith.constant 16 : index
        %swap3A_375 = tpu.vector_load %arg6[%swap3A_373, %swap3A_374] {strides = array<i32>} : memref<128x64xf32, #tpu.memory_space<vmem>>, vector<1x16xf32>,
        %swap3A_376 = vector.shape_cast %swap3A_375 : vector<1x16xf32> to vector<16xf32>
        %swap3A_377 = vector.shape_cast %mul3A_372 : vector<16xf32> to vector<1x16xf32>
        tpu.vector_store %arg6[%swap3A_373, %swap3A_374], %swap3A_377 {strides = array<i32>} : memref<128x64xf32, #tpu.memory_space<vmem>>, vector<1x16xf32>,
        %get3A_378 = arith.index_cast %add3A_353 : i32 to index
        %get3A_379 = arith.constant 32 : index
        %get3A_380 = tpu.vector_load %arg6[%get3A_378, %get3A_379] {strides = array<i32>} : memref<128x64xf32, #tpu.memory_space<vmem>>, vector<1x16xf32>,
        %get3A_381 = vector.shape_cast %get3A_380 : vector<1x16xf32> to vector<16xf32>
        %mul3A_382 = arith.constant 8.000000e+00 : f32
        %mul3A_383 = vector.broadcast %mul3A_382 : f32 to vector<16xf32>
        %mul3A_384 = arith.mulf %get3A_381, %mul3A_383 : vector<16xf32>
        %swap3A_385 = arith.index_cast %add3A_353 : i32 to index
        %swap3A_386 = arith.constant 32 : index
        %swap3A_387 = tpu.vector_load %arg6[%swap3A_385, %swap3A_386] {strides = array<i32>} : memref<128x64xf32, #tpu.memory_space<vmem>>, vector<1x16xf32>,
        %swap3A_388 = vector.shape_cast %swap3A_387 : vector<1x16xf32> to vector<16xf32>
        %swap3A_389 = vector.shape_cast %mul3A_384 : vector<16xf32> to vector<1x16xf32>
        tpu.vector_store %arg6[%swap3A_385, %swap3A_386], %swap3A_389 {strides = array<i32>} : memref<128x64xf32, #tpu.memory_space<vmem>>, vector<1x16xf32>,
        %get3A_390 = arith.index_cast %add3A_353 : i32 to index
        %get3A_391 = arith.constant 48 : index
        %get3A_392 = tpu.vector_load %arg6[%get3A_390, %get3A_391] {strides = array<i32>} : memref<128x64xf32, #tpu.memory_space<vmem>>, vector<1x16xf32>,
        %get3A_393 = vector.shape_cast %get3A_392 : vector<1x16xf32> to vector<16xf32>
        %mul3A_394 = arith.constant 8.000000e+00 : f32
        %mul3A_395 = vector.broadcast %mul3A_394 : f32 to vector<16xf32>
        %mul3A_396 = arith.mulf %get3A_393, %mul3A_395 : vector<16xf32>
        %swap3A_397 = arith.index_cast %add3A_353 : i32 to index
        %swap3A_398 = arith.constant 48 : index
        %swap3A_399 = tpu.vector_load %arg6[%swap3A_397, %swap3A_398] {strides = array<i32>} : memref<128x64xf32, #tpu.memory_space<vmem>>, vector<1x16xf32>,
        %swap3A_400 = vector.shape_cast %swap3A_399 : vector<1x16xf32> to vector<16xf32>
        %swap3A_401 = vector.shape_cast %mul3A_396 : vector<16xf32> to vector<1x16xf32>
        tpu.vector_store %arg6[%swap3A_397, %swap3A_398], %swap3A_401 {strides = array<i32>} : memref<128x64xf32, #tpu.memory_space<vmem>>, vector<1x16xf32>,
      }
      %scan3A_154 = arith.constant 32 : i32
      %dma_start3A_155 = arith.constant 0 : i32
      %dma_start3A_156 = arith.constant 0 : i32
      %dma_start3A_157 = tpu.memref_slice %arg4[%add3A, %add3A_142, %dma_start3A_155, %dma_start3A_156] : memref<32x50x128x64xf32, #tpu.memory_space<hbm>> -> memref<1x1x128x64xf32, #tpu.memory_space<hbm>>
      %dma_start3A_158 = tpu.memref_squeeze %dma_start3A_157 : memref<1x1x128x64xf32, #tpu.memory_space<hbm>> -> memref<128x64xf32, #tpu.memory_space<hbm>>
      %dma_start3A_159 = arith.constant 0 : i32
      %dma_start3A_160 = arith.constant 0 : i32
      %dma_start3A_161 = tpu.memref_slice %arg4[%add3A, %add3A_142, %dma_start3A_159, %dma_start3A_160] : memref<32x50x128x64xf32, #tpu.memory_space<hbm>> -> memref<1x1x128x64xf32, #tpu.memory_space<hbm>>
      %dma_start3A_162 = tpu.memref_squeeze %dma_start3A_161 : memref<1x1x128x64xf32, #tpu.memory_space<hbm>> -> memref<128x64xf32, #tpu.memory_space<hbm>>
      tpu.enqueue_dma source(%arg6 : memref<128x64xf32, #tpu.memory_space<vmem>>) target(%dma_start3A_162 : memref<128x64xf32, #tpu.memory_space<hbm>>) target_semaphore(%arg12 : memref<!tpu.dma_semaphore, #tpu.memory_space<semaphore_mem>>)
      %lt3A_163 = arith.constant 48 : i32
      %lt3A_164 = arith.cmpi slt, %add3A_142, %lt3A_163 : i32
      %convert_element_type3A_165 = arith.extui %lt3A_164 : i1 to i32
      %cond3A_166 = arith.constant 0 : i32
      %cond3A_167 = arith.cmpi ne, %convert_element_type3A_165, %cond3A_166 : i32
      scf.if %cond3A_167 {
        %sub3A = arith.constant 1 : i32
        %sub3A_195 = arith.subi %add3A_142, %sub3A : i32
        %dma_wait3A_196 = arith.constant 0 : i32
        %dma_wait3A_197 = arith.constant 0 : i32
        %dma_wait3A_198 = tpu.memref_slice %arg4[%add3A, %sub3A_195, %dma_wait3A_196, %dma_wait3A_197] : memref<32x50x128x64xf32, #tpu.memory_space<hbm>> -> memref<1x1x128x64xf32, #tpu.memory_space<hbm>>
        %dma_wait3A_199 = tpu.memref_squeeze %dma_wait3A_198 : memref<1x1x128x64xf32, #tpu.memory_space<hbm>> -> memref<128x64xf32, #tpu.memory_space<hbm>>
        %dma_wait3A_200 = arith.constant 0 : i32
        %dma_wait3A_201 = arith.constant 0 : i32
        %dma_wait3A_202 = tpu.memref_slice %arg4[%add3A, %sub3A_195, %dma_wait3A_200, %dma_wait3A_201] : memref<32x50x128x64xf32, #tpu.memory_space<hbm>> -> memref<1x1x128x64xf32, #tpu.memory_space<hbm>>
        %dma_wait3A_203 = tpu.memref_squeeze %dma_wait3A_202 : memref<1x1x128x64xf32, #tpu.memory_space<hbm>> -> memref<128x64xf32, #tpu.memory_space<hbm>>
        tpu.wait_dma2 semaphore(%arg14 : memref<!tpu.dma_semaphore, #tpu.memory_space<semaphore_mem>>) src(%arg8 : memref<128x64xf32, #tpu.memory_space<vmem>>) dst(%dma_wait3A_203 : memref<128x64xf32, #tpu.memory_space<hbm>>)
        %add3A_204 = arith.constant 2 : i32
        %add3A_205 = arith.addi %add3A_142, %add3A_204 : i32
        %dma_start3A_206 = arith.constant 0 : i32
        %dma_start3A_207 = tpu.memref_slice %arg5[%add3A_205, %dma_start3A_206] : memref<50x128xi32, #tpu.memory_space<vmem>> -> memref<1x128xi32, #tpu.memory_space<vmem>>
        %dma_start3A_208 = tpu.memref_squeeze %dma_start3A_207 : memref<1x128xi32, #tpu.memory_space<vmem>> -> memref<128xi32, #tpu.memory_space<vmem>>
        %dma_start3A_209 = arith.constant 0 : i32
        %dma_start3A_210 = arith.constant 0 : i32
        %dma_start3A_211 = tpu.memref_slice %arg3[%dma_start3A_209, %dma_start3A_210] : memref<1000000x64xf32, #tpu.memory_space<hbm>> -> memref<1000000x64xf32, #tpu.memory_space<hbm>>
        tpu.enqueue_indirect_dma source(%dma_start3A_211 : memref<1000000x64xf32, #tpu.memory_space<hbm>>) target(%arg8 : memref<128x64xf32, #tpu.memory_space<vmem>>) offsets(%dma_start3A_208 : memref<128xi32, #tpu.memory_space<vmem>>) semaphore(%arg11 : memref<!tpu.dma_semaphore, #tpu.memory_space<semaphore_mem>>)
      } else {
      }
      %add3A_168 = arith.constant 2 : i32
      %add3A_169 = arith.addi %add3A_116, %add3A_168 : i32
      %dma_wait3A_170 = arith.constant 0 : i32
      %dma_wait3A_171 = tpu.memref_slice %arg5[%add3A_169, %dma_wait3A_170] : memref<50x128xi32, #tpu.memory_space<vmem>> -> memref<1x128xi32, #tpu.memory_space<vmem>>
      %dma_wait3A_172 = tpu.memref_squeeze %dma_wait3A_171 : memref<1x128xi32, #tpu.memory_space<vmem>> -> memref<128xi32, #tpu.memory_space<vmem>>
      %dma_wait3A_173 = arith.constant 0 : i32
      %dma_wait3A_174 = arith.constant 0 : i32
      %dma_wait3A_175 = tpu.memref_slice %arg3[%dma_wait3A_173, %dma_wait3A_174] : memref<1000000x64xf32, #tpu.memory_space<hbm>> -> memref<1000000x64xf32, #tpu.memory_space<hbm>>
      tpu.wait_indirect_dma semaphore(%arg10 : memref<!tpu.dma_semaphore, #tpu.memory_space<semaphore_mem>>) src(%dma_wait3A_175 : memref<1000000x64xf32, #tpu.memory_space<hbm>>) dst(%arg7 : memref<128x64xf32, #tpu.memory_space<vmem>>)
      %scan3A_176 = arith.constant 0 : i32
      %scan3A_177 = arith.constant 0 : i32
      %scan3A_178 = arith.constant 32 : i32
      %scan3A_179 = arith.addi %scan3A_177, %scan3A_178 : i32
      %scan3A_180 = arith.constant 1 : i32
      scf.for %scan3A_195 = %scan3A_177 to %scan3A_179 step %scan3A_180  : i32 {
        %mul3A_196 = arith.constant 4 : i32
        %mul3A_197 = arith.muli %scan3A_195, %mul3A_196 : i32
        %add3A_198 = arith.constant 0 : i32
        %add3A_199 = arith.addi %mul3A_197, %add3A_198 : i32
        %get3A = arith.index_cast %add3A_199 : i32 to index
        %get3A_200 = arith.constant 0 : index
        %get3A_201 = tpu.vector_load %arg7[%get3A, %get3A_200] {strides = array<i32>} : memref<128x64xf32, #tpu.memory_space<vmem>>, vector<1x16xf32>,
        %get3A_202 = vector.shape_cast %get3A_201 : vector<1x16xf32> to vector<16xf32>
        %mul3A_203 = arith.constant 8.000000e+00 : f32
        %mul3A_204 = vector.broadcast %mul3A_203 : f32 to vector<16xf32>
        %mul3A_205 = arith.mulf %get3A_202, %mul3A_204 : vector<16xf32>
        %swap3A = arith.index_cast %add3A_199 : i32 to index
        %swap3A_206 = arith.constant 0 : index
        %swap3A_207 = tpu.vector_load %arg7[%swap3A, %swap3A_206] {strides = array<i32>} : memref<128x64xf32, #tpu.memory_space<vmem>>, vector<1x16xf32>,
        %swap3A_208 = vector.shape_cast %swap3A_207 : vector<1x16xf32> to vector<16xf32>
        %swap3A_209 = vector.shape_cast %mul3A_205 : vector<16xf32> to vector<1x16xf32>
        tpu.vector_store %arg7[%swap3A, %swap3A_206], %swap3A_209 {strides = array<i32>} : memref<128x64xf32, #tpu.memory_space<vmem>>, vector<1x16xf32>,
        %get3A_210 = arith.index_cast %add3A_199 : i32 to index
        %get3A_211 = arith.constant 16 : index
        %get3A_212 = tpu.vector_load %arg7[%get3A_210, %get3A_211] {strides = array<i32>} : memref<128x64xf32, #tpu.memory_space<vmem>>, vector<1x16xf32>,
        %get3A_213 = vector.shape_cast %get3A_212 : vector<1x16xf32> to vector<16xf32>
        %mul3A_214 = arith.constant 8.000000e+00 : f32
        %mul3A_215 = vector.broadcast %mul3A_214 : f32 to vector<16xf32>
        %mul3A_216 = arith.mulf %get3A_213, %mul3A_215 : vector<16xf32>
        %swap3A_217 = arith.index_cast %add3A_199 : i32 to index
        %swap3A_218 = arith.constant 16 : index
        %swap3A_219 = tpu.vector_load %arg7[%swap3A_217, %swap3A_218] {strides = array<i32>} : memref<128x64xf32, #tpu.memory_space<vmem>>, vector<1x16xf32>,
        %swap3A_220 = vector.shape_cast %swap3A_219 : vector<1x16xf32> to vector<16xf32>
        %swap3A_221 = vector.shape_cast %mul3A_216 : vector<16xf32> to vector<1x16xf32>
        tpu.vector_store %arg7[%swap3A_217, %swap3A_218], %swap3A_221 {strides = array<i32>} : memref<128x64xf32, #tpu.memory_space<vmem>>, vector<1x16xf32>,
        %get3A_222 = arith.index_cast %add3A_199 : i32 to index
        %get3A_223 = arith.constant 32 : index
        %get3A_224 = tpu.vector_load %arg7[%get3A_222, %get3A_223] {strides = array<i32>} : memref<128x64xf32, #tpu.memory_space<vmem>>, vector<1x16xf32>,
        %get3A_225 = vector.shape_cast %get3A_224 : vector<1x16xf32> to vector<16xf32>
        %mul3A_226 = arith.constant 8.000000e+00 : f32
        %mul3A_227 = vector.broadcast %mul3A_226 : f32 to vector<16xf32>
        %mul3A_228 = arith.mulf %get3A_225, %mul3A_227 : vector<16xf32>
        %swap3A_229 = arith.index_cast %add3A_199 : i32 to index
        %swap3A_230 = arith.constant 32 : index
        %swap3A_231 = tpu.vector_load %arg7[%swap3A_229, %swap3A_230] {strides = array<i32>} : memref<128x64xf32, #tpu.memory_space<vmem>>, vector<1x16xf32>,
        %swap3A_232 = vector.shape_cast %swap3A_231 : vector<1x16xf32> to vector<16xf32>
        %swap3A_233 = vector.shape_cast %mul3A_228 : vector<16xf32> to vector<1x16xf32>
        tpu.vector_store %arg7[%swap3A_229, %swap3A_230], %swap3A_233 {strides = array<i32>} : memref<128x64xf32, #tpu.memory_space<vmem>>, vector<1x16xf32>,
        %get3A_234 = arith.index_cast %add3A_199 : i32 to index
        %get3A_235 = arith.constant 48 : index
        %get3A_236 = tpu.vector_load %arg7[%get3A_234, %get3A_235] {strides = array<i32>} : memref<128x64xf32, #tpu.memory_space<vmem>>, vector<1x16xf32>,
        %get3A_237 = vector.shape_cast %get3A_236 : vector<1x16xf32> to vector<16xf32>
        %mul3A_238 = arith.constant 8.000000e+00 : f32
        %mul3A_239 = vector.broadcast %mul3A_238 : f32 to vector<16xf32>
        %mul3A_240 = arith.mulf %get3A_237, %mul3A_239 : vector<16xf32>
        %swap3A_241 = arith.index_cast %add3A_199 : i32 to index
        %swap3A_242 = arith.constant 48 : index
        %swap3A_243 = tpu.vector_load %arg7[%swap3A_241, %swap3A_242] {strides = array<i32>} : memref<128x64xf32, #tpu.memory_space<vmem>>, vector<1x16xf32>,
        %swap3A_244 = vector.shape_cast %swap3A_243 : vector<1x16xf32> to vector<16xf32>
        %swap3A_245 = vector.shape_cast %mul3A_240 : vector<16xf32> to vector<1x16xf32>
        tpu.vector_store %arg7[%swap3A_241, %swap3A_242], %swap3A_245 {strides = array<i32>} : memref<128x64xf32, #tpu.memory_space<vmem>>, vector<1x16xf32>,
        %mul3A_246 = arith.constant 4 : i32
        %mul3A_247 = arith.muli %scan3A_195, %mul3A_246 : i32
        %add3A_248 = arith.constant 1 : i32
        %add3A_249 = arith.addi %mul3A_247, %add3A_248 : i32
        %get3A_250 = arith.index_cast %add3A_249 : i32 to index
        %get3A_251 = arith.constant 0 : index
        %get3A_252 = tpu.vector_load %arg7[%get3A_250, %get3A_251] {strides = array<i32>} : memref<128x64xf32, #tpu.memory_space<vmem>>, vector<1x16xf32>,
        %get3A_253 = vector.shape_cast %get3A_252 : vector<1x16xf32> to vector<16xf32>
        %mul3A_254 = arith.constant 8.000000e+00 : f32
        %mul3A_255 = vector.broadcast %mul3A_254 : f32 to vector<16xf32>
        %mul3A_256 = arith.mulf %get3A_253, %mul3A_255 : vector<16xf32>
        %swap3A_257 = arith.index_cast %add3A_249 : i32 to index
        %swap3A_258 = arith.constant 0 : index
        %swap3A_259 = tpu.vector_load %arg7[%swap3A_257, %swap3A_258] {strides = array<i32>} : memref<128x64xf32, #tpu.memory_space<vmem>>, vector<1x16xf32>,
        %swap3A_260 = vector.shape_cast %swap3A_259 : vector<1x16xf32> to vector<16xf32>
        %swap3A_261 = vector.shape_cast %mul3A_256 : vector<16xf32> to vector<1x16xf32>
        tpu.vector_store %arg7[%swap3A_257, %swap3A_258], %swap3A_261 {strides = array<i32>} : memref<128x64xf32, #tpu.memory_space<vmem>>, vector<1x16xf32>,
        %get3A_262 = arith.index_cast %add3A_249 : i32 to index
        %get3A_263 = arith.constant 16 : index
        %get3A_264 = tpu.vector_load %arg7[%get3A_262, %get3A_263] {strides = array<i32>} : memref<128x64xf32, #tpu.memory_space<vmem>>, vector<1x16xf32>,
        %get3A_265 = vector.shape_cast %get3A_264 : vector<1x16xf32> to vector<16xf32>
        %mul3A_266 = arith.constant 8.000000e+00 : f32
        %mul3A_267 = vector.broadcast %mul3A_266 : f32 to vector<16xf32>
        %mul3A_268 = arith.mulf %get3A_265, %mul3A_267 : vector<16xf32>
        %swap3A_269 = arith.index_cast %add3A_249 : i32 to index
        %swap3A_270 = arith.constant 16 : index
        %swap3A_271 = tpu.vector_load %arg7[%swap3A_269, %swap3A_270] {strides = array<i32>} : memref<128x64xf32, #tpu.memory_space<vmem>>, vector<1x16xf32>,
        %swap3A_272 = vector.shape_cast %swap3A_271 : vector<1x16xf32> to vector<16xf32>
        %swap3A_273 = vector.shape_cast %mul3A_268 : vector<16xf32> to vector<1x16xf32>
        tpu.vector_store %arg7[%swap3A_269, %swap3A_270], %swap3A_273 {strides = array<i32>} : memref<128x64xf32, #tpu.memory_space<vmem>>, vector<1x16xf32>,
        %get3A_274 = arith.index_cast %add3A_249 : i32 to index
        %get3A_275 = arith.constant 32 : index
        %get3A_276 = tpu.vector_load %arg7[%get3A_274, %get3A_275] {strides = array<i32>} : memref<128x64xf32, #tpu.memory_space<vmem>>, vector<1x16xf32>,
        %get3A_277 = vector.shape_cast %get3A_276 : vector<1x16xf32> to vector<16xf32>
        %mul3A_278 = arith.constant 8.000000e+00 : f32
        %mul3A_279 = vector.broadcast %mul3A_278 : f32 to vector<16xf32>
        %mul3A_280 = arith.mulf %get3A_277, %mul3A_279 : vector<16xf32>
        %swap3A_281 = arith.index_cast %add3A_249 : i32 to index
        %swap3A_282 = arith.constant 32 : index
        %swap3A_283 = tpu.vector_load %arg7[%swap3A_281, %swap3A_282] {strides = array<i32>} : memref<128x64xf32, #tpu.memory_space<vmem>>, vector<1x16xf32>,
        %swap3A_284 = vector.shape_cast %swap3A_283 : vector<1x16xf32> to vector<16xf32>
        %swap3A_285 = vector.shape_cast %mul3A_280 : vector<16xf32> to vector<1x16xf32>
        tpu.vector_store %arg7[%swap3A_281, %swap3A_282], %swap3A_285 {strides = array<i32>} : memref<128x64xf32, #tpu.memory_space<vmem>>, vector<1x16xf32>,
        %get3A_286 = arith.index_cast %add3A_249 : i32 to index
        %get3A_287 = arith.constant 48 : index
        %get3A_288 = tpu.vector_load %arg7[%get3A_286, %get3A_287] {strides = array<i32>} : memref<128x64xf32, #tpu.memory_space<vmem>>, vector<1x16xf32>,
        %get3A_289 = vector.shape_cast %get3A_288 : vector<1x16xf32> to vector<16xf32>
        %mul3A_290 = arith.constant 8.000000e+00 : f32
        %mul3A_291 = vector.broadcast %mul3A_290 : f32 to vector<16xf32>
        %mul3A_292 = arith.mulf %get3A_289, %mul3A_291 : vector<16xf32>
        %swap3A_293 = arith.index_cast %add3A_249 : i32 to index
        %swap3A_294 = arith.constant 48 : index
        %swap3A_295 = tpu.vector_load %arg7[%swap3A_293, %swap3A_294] {strides = array<i32>} : memref<128x64xf32, #tpu.memory_space<vmem>>, vector<1x16xf32>,
        %swap3A_296 = vector.shape_cast %swap3A_295 : vector<1x16xf32> to vector<16xf32>
        %swap3A_297 = vector.shape_cast %mul3A_292 : vector<16xf32> to vector<1x16xf32>
        tpu.vector_store %arg7[%swap3A_293, %swap3A_294], %swap3A_297 {strides = array<i32>} : memref<128x64xf32, #tpu.memory_space<vmem>>, vector<1x16xf32>,
        %mul3A_298 = arith.constant 4 : i32
        %mul3A_299 = arith.muli %scan3A_195, %mul3A_298 : i32
        %add3A_300 = arith.constant 2 : i32
        %add3A_301 = arith.addi %mul3A_299, %add3A_300 : i32
        %get3A_302 = arith.index_cast %add3A_301 : i32 to index
        %get3A_303 = arith.constant 0 : index
        %get3A_304 = tpu.vector_load %arg7[%get3A_302, %get3A_303] {strides = array<i32>} : memref<128x64xf32, #tpu.memory_space<vmem>>, vector<1x16xf32>,
        %get3A_305 = vector.shape_cast %get3A_304 : vector<1x16xf32> to vector<16xf32>
        %mul3A_306 = arith.constant 8.000000e+00 : f32
        %mul3A_307 = vector.broadcast %mul3A_306 : f32 to vector<16xf32>
        %mul3A_308 = arith.mulf %get3A_305, %mul3A_307 : vector<16xf32>
        %swap3A_309 = arith.index_cast %add3A_301 : i32 to index
        %swap3A_310 = arith.constant 0 : index
        %swap3A_311 = tpu.vector_load %arg7[%swap3A_309, %swap3A_310] {strides = array<i32>} : memref<128x64xf32, #tpu.memory_space<vmem>>, vector<1x16xf32>,
        %swap3A_312 = vector.shape_cast %swap3A_311 : vector<1x16xf32> to vector<16xf32>
        %swap3A_313 = vector.shape_cast %mul3A_308 : vector<16xf32> to vector<1x16xf32>
        tpu.vector_store %arg7[%swap3A_309, %swap3A_310], %swap3A_313 {strides = array<i32>} : memref<128x64xf32, #tpu.memory_space<vmem>>, vector<1x16xf32>,
        %get3A_314 = arith.index_cast %add3A_301 : i32 to index
        %get3A_315 = arith.constant 16 : index
        %get3A_316 = tpu.vector_load %arg7[%get3A_314, %get3A_315] {strides = array<i32>} : memref<128x64xf32, #tpu.memory_space<vmem>>, vector<1x16xf32>,
        %get3A_317 = vector.shape_cast %get3A_316 : vector<1x16xf32> to vector<16xf32>
        %mul3A_318 = arith.constant 8.000000e+00 : f32
        %mul3A_319 = vector.broadcast %mul3A_318 : f32 to vector<16xf32>
        %mul3A_320 = arith.mulf %get3A_317, %mul3A_319 : vector<16xf32>
        %swap3A_321 = arith.index_cast %add3A_301 : i32 to index
        %swap3A_322 = arith.constant 16 : index
        %swap3A_323 = tpu.vector_load %arg7[%swap3A_321, %swap3A_322] {strides = array<i32>} : memref<128x64xf32, #tpu.memory_space<vmem>>, vector<1x16xf32>,
        %swap3A_324 = vector.shape_cast %swap3A_323 : vector<1x16xf32> to vector<16xf32>
        %swap3A_325 = vector.shape_cast %mul3A_320 : vector<16xf32> to vector<1x16xf32>
        tpu.vector_store %arg7[%swap3A_321, %swap3A_322], %swap3A_325 {strides = array<i32>} : memref<128x64xf32, #tpu.memory_space<vmem>>, vector<1x16xf32>,
        %get3A_326 = arith.index_cast %add3A_301 : i32 to index
        %get3A_327 = arith.constant 32 : index
        %get3A_328 = tpu.vector_load %arg7[%get3A_326, %get3A_327] {strides = array<i32>} : memref<128x64xf32, #tpu.memory_space<vmem>>, vector<1x16xf32>,
        %get3A_329 = vector.shape_cast %get3A_328 : vector<1x16xf32> to vector<16xf32>
        %mul3A_330 = arith.constant 8.000000e+00 : f32
        %mul3A_331 = vector.broadcast %mul3A_330 : f32 to vector<16xf32>
        %mul3A_332 = arith.mulf %get3A_329, %mul3A_331 : vector<16xf32>
        %swap3A_333 = arith.index_cast %add3A_301 : i32 to index
        %swap3A_334 = arith.constant 32 : index
        %swap3A_335 = tpu.vector_load %arg7[%swap3A_333, %swap3A_334] {strides = array<i32>} : memref<128x64xf32, #tpu.memory_space<vmem>>, vector<1x16xf32>,
        %swap3A_336 = vector.shape_cast %swap3A_335 : vector<1x16xf32> to vector<16xf32>
        %swap3A_337 = vector.shape_cast %mul3A_332 : vector<16xf32> to vector<1x16xf32>
        tpu.vector_store %arg7[%swap3A_333, %swap3A_334], %swap3A_337 {strides = array<i32>} : memref<128x64xf32, #tpu.memory_space<vmem>>, vector<1x16xf32>,
        %get3A_338 = arith.index_cast %add3A_301 : i32 to index
        %get3A_339 = arith.constant 48 : index
        %get3A_340 = tpu.vector_load %arg7[%get3A_338, %get3A_339] {strides = array<i32>} : memref<128x64xf32, #tpu.memory_space<vmem>>, vector<1x16xf32>,
        %get3A_341 = vector.shape_cast %get3A_340 : vector<1x16xf32> to vector<16xf32>
        %mul3A_342 = arith.constant 8.000000e+00 : f32
        %mul3A_343 = vector.broadcast %mul3A_342 : f32 to vector<16xf32>
        %mul3A_344 = arith.mulf %get3A_341, %mul3A_343 : vector<16xf32>
        %swap3A_345 = arith.index_cast %add3A_301 : i32 to index
        %swap3A_346 = arith.constant 48 : index
        %swap3A_347 = tpu.vector_load %arg7[%swap3A_345, %swap3A_346] {strides = array<i32>} : memref<128x64xf32, #tpu.memory_space<vmem>>, vector<1x16xf32>,
        %swap3A_348 = vector.shape_cast %swap3A_347 : vector<1x16xf32> to vector<16xf32>
        %swap3A_349 = vector.shape_cast %mul3A_344 : vector<16xf32> to vector<1x16xf32>
        tpu.vector_store %arg7[%swap3A_345, %swap3A_346], %swap3A_349 {strides = array<i32>} : memref<128x64xf32, #tpu.memory_space<vmem>>, vector<1x16xf32>,
        %mul3A_350 = arith.constant 4 : i32
        %mul3A_351 = arith.muli %scan3A_195, %mul3A_350 : i32
        %add3A_352 = arith.constant 3 : i32
        %add3A_353 = arith.addi %mul3A_351, %add3A_352 : i32
        %get3A_354 = arith.index_cast %add3A_353 : i32 to index
        %get3A_355 = arith.constant 0 : index
        %get3A_356 = tpu.vector_load %arg7[%get3A_354, %get3A_355] {strides = array<i32>} : memref<128x64xf32, #tpu.memory_space<vmem>>, vector<1x16xf32>,
        %get3A_357 = vector.shape_cast %get3A_356 : vector<1x16xf32> to vector<16xf32>
        %mul3A_358 = arith.constant 8.000000e+00 : f32
        %mul3A_359 = vector.broadcast %mul3A_358 : f32 to vector<16xf32>
        %mul3A_360 = arith.mulf %get3A_357, %mul3A_359 : vector<16xf32>
        %swap3A_361 = arith.index_cast %add3A_353 : i32 to index
        %swap3A_362 = arith.constant 0 : index
        %swap3A_363 = tpu.vector_load %arg7[%swap3A_361, %swap3A_362] {strides = array<i32>} : memref<128x64xf32, #tpu.memory_space<vmem>>, vector<1x16xf32>,
        %swap3A_364 = vector.shape_cast %swap3A_363 : vector<1x16xf32> to vector<16xf32>
        %swap3A_365 = vector.shape_cast %mul3A_360 : vector<16xf32> to vector<1x16xf32>
        tpu.vector_store %arg7[%swap3A_361, %swap3A_362], %swap3A_365 {strides = array<i32>} : memref<128x64xf32, #tpu.memory_space<vmem>>, vector<1x16xf32>,
        %get3A_366 = arith.index_cast %add3A_353 : i32 to index
        %get3A_367 = arith.constant 16 : index
        %get3A_368 = tpu.vector_load %arg7[%get3A_366, %get3A_367] {strides = array<i32>} : memref<128x64xf32, #tpu.memory_space<vmem>>, vector<1x16xf32>,
        %get3A_369 = vector.shape_cast %get3A_368 : vector<1x16xf32> to vector<16xf32>
        %mul3A_370 = arith.constant 8.000000e+00 : f32
        %mul3A_371 = vector.broadcast %mul3A_370 : f32 to vector<16xf32>
        %mul3A_372 = arith.mulf %get3A_369, %mul3A_371 : vector<16xf32>
        %swap3A_373 = arith.index_cast %add3A_353 : i32 to index
        %swap3A_374 = arith.constant 16 : index
        %swap3A_375 = tpu.vector_load %arg7[%swap3A_373, %swap3A_374] {strides = array<i32>} : memref<128x64xf32, #tpu.memory_space<vmem>>, vector<1x16xf32>,
        %swap3A_376 = vector.shape_cast %swap3A_375 : vector<1x16xf32> to vector<16xf32>
        %swap3A_377 = vector.shape_cast %mul3A_372 : vector<16xf32> to vector<1x16xf32>
        tpu.vector_store %arg7[%swap3A_373, %swap3A_374], %swap3A_377 {strides = array<i32>} : memref<128x64xf32, #tpu.memory_space<vmem>>, vector<1x16xf32>,
        %get3A_378 = arith.index_cast %add3A_353 : i32 to index
        %get3A_379 = arith.constant 32 : index
        %get3A_380 = tpu.vector_load %arg7[%get3A_378, %get3A_379] {strides = array<i32>} : memref<128x64xf32, #tpu.memory_space<vmem>>, vector<1x16xf32>,
        %get3A_381 = vector.shape_cast %get3A_380 : vector<1x16xf32> to vector<16xf32>
        %mul3A_382 = arith.constant 8.000000e+00 : f32
        %mul3A_383 = vector.broadcast %mul3A_382 : f32 to vector<16xf32>
        %mul3A_384 = arith.mulf %get3A_381, %mul3A_383 : vector<16xf32>
        %swap3A_385 = arith.index_cast %add3A_353 : i32 to index
        %swap3A_386 = arith.constant 32 : index
        %swap3A_387 = tpu.vector_load %arg7[%swap3A_385, %swap3A_386] {strides = array<i32>} : memref<128x64xf32, #tpu.memory_space<vmem>>, vector<1x16xf32>,
        %swap3A_388 = vector.shape_cast %swap3A_387 : vector<1x16xf32> to vector<16xf32>
        %swap3A_389 = vector.shape_cast %mul3A_384 : vector<16xf32> to vector<1x16xf32>
        tpu.vector_store %arg7[%swap3A_385, %swap3A_386], %swap3A_389 {strides = array<i32>} : memref<128x64xf32, #tpu.memory_space<vmem>>, vector<1x16xf32>,
        %get3A_390 = arith.index_cast %add3A_353 : i32 to index
        %get3A_391 = arith.constant 48 : index
        %get3A_392 = tpu.vector_load %arg7[%get3A_390, %get3A_391] {strides = array<i32>} : memref<128x64xf32, #tpu.memory_space<vmem>>, vector<1x16xf32>,
        %get3A_393 = vector.shape_cast %get3A_392 : vector<1x16xf32> to vector<16xf32>
        %mul3A_394 = arith.constant 8.000000e+00 : f32
        %mul3A_395 = vector.broadcast %mul3A_394 : f32 to vector<16xf32>
        %mul3A_396 = arith.mulf %get3A_393, %mul3A_395 : vector<16xf32>
        %swap3A_397 = arith.index_cast %add3A_353 : i32 to index
        %swap3A_398 = arith.constant 48 : index
        %swap3A_399 = tpu.vector_load %arg7[%swap3A_397, %swap3A_398] {strides = array<i32>} : memref<128x64xf32, #tpu.memory_space<vmem>>, vector<1x16xf32>,
        %swap3A_400 = vector.shape_cast %swap3A_399 : vector<1x16xf32> to vector<16xf32>
        %swap3A_401 = vector.shape_cast %mul3A_396 : vector<16xf32> to vector<1x16xf32>
        tpu.vector_store %arg7[%swap3A_397, %swap3A_398], %swap3A_401 {strides = array<i32>} : memref<128x64xf32, #tpu.memory_space<vmem>>, vector<1x16xf32>,
      }
      %scan3A_181 = arith.constant 32 : i32
      %dma_start3A_182 = arith.constant 0 : i32
      %dma_start3A_183 = arith.constant 0 : i32
      %dma_start3A_184 = tpu.memref_slice %arg4[%add3A, %add3A_169, %dma_start3A_182, %dma_start3A_183] : memref<32x50x128x64xf32, #tpu.memory_space<hbm>> -> memref<1x1x128x64xf32, #tpu.memory_space<hbm>>
      %dma_start3A_185 = tpu.memref_squeeze %dma_start3A_184 : memref<1x1x128x64xf32, #tpu.memory_space<hbm>> -> memref<128x64xf32, #tpu.memory_space<hbm>>
      %dma_start3A_186 = arith.constant 0 : i32
      %dma_start3A_187 = arith.constant 0 : i32
      %dma_start3A_188 = tpu.memref_slice %arg4[%add3A, %add3A_169, %dma_start3A_186, %dma_start3A_187] : memref<32x50x128x64xf32, #tpu.memory_space<hbm>> -> memref<1x1x128x64xf32, #tpu.memory_space<hbm>>
      %dma_start3A_189 = tpu.memref_squeeze %dma_start3A_188 : memref<1x1x128x64xf32, #tpu.memory_space<hbm>> -> memref<128x64xf32, #tpu.memory_space<hbm>>
      tpu.enqueue_dma source(%arg7 : memref<128x64xf32, #tpu.memory_space<vmem>>) target(%dma_start3A_189 : memref<128x64xf32, #tpu.memory_space<hbm>>) target_semaphore(%arg13 : memref<!tpu.dma_semaphore, #tpu.memory_space<semaphore_mem>>)
      %lt3A_190 = arith.constant 48 : i32
      %lt3A_191 = arith.cmpi slt, %add3A_169, %lt3A_190 : i32
      %convert_element_type3A_192 = arith.extui %lt3A_191 : i1 to i32
      %cond3A_193 = arith.constant 0 : i32
      %cond3A_194 = arith.cmpi ne, %convert_element_type3A_192, %cond3A_193 : i32
      scf.if %cond3A_194 {
        %sub3A = arith.constant 1 : i32
        %sub3A_195 = arith.subi %add3A_169, %sub3A : i32
        %dma_wait3A_196 = arith.constant 0 : i32
        %dma_wait3A_197 = arith.constant 0 : i32
        %dma_wait3A_198 = tpu.memref_slice %arg4[%add3A, %sub3A_195, %dma_wait3A_196, %dma_wait3A_197] : memref<32x50x128x64xf32, #tpu.memory_space<hbm>> -> memref<1x1x128x64xf32, #tpu.memory_space<hbm>>
        %dma_wait3A_199 = tpu.memref_squeeze %dma_wait3A_198 : memref<1x1x128x64xf32, #tpu.memory_space<hbm>> -> memref<128x64xf32, #tpu.memory_space<hbm>>
        %dma_wait3A_200 = arith.constant 0 : i32
        %dma_wait3A_201 = arith.constant 0 : i32
        %dma_wait3A_202 = tpu.memref_slice %arg4[%add3A, %sub3A_195, %dma_wait3A_200, %dma_wait3A_201] : memref<32x50x128x64xf32, #tpu.memory_space<hbm>> -> memref<1x1x128x64xf32, #tpu.memory_space<hbm>>
        %dma_wait3A_203 = tpu.memref_squeeze %dma_wait3A_202 : memref<1x1x128x64xf32, #tpu.memory_space<hbm>> -> memref<128x64xf32, #tpu.memory_space<hbm>>
        tpu.wait_dma2 semaphore(%arg12 : memref<!tpu.dma_semaphore, #tpu.memory_space<semaphore_mem>>) src(%arg6 : memref<128x64xf32, #tpu.memory_space<vmem>>) dst(%dma_wait3A_203 : memref<128x64xf32, #tpu.memory_space<hbm>>)
        %add3A_204 = arith.constant 2 : i32
        %add3A_205 = arith.addi %add3A_169, %add3A_204 : i32
        %dma_start3A_206 = arith.constant 0 : i32
        %dma_start3A_207 = tpu.memref_slice %arg5[%add3A_205, %dma_start3A_206] : memref<50x128xi32, #tpu.memory_space<vmem>> -> memref<1x128xi32, #tpu.memory_space<vmem>>
        %dma_start3A_208 = tpu.memref_squeeze %dma_start3A_207 : memref<1x128xi32, #tpu.memory_space<vmem>> -> memref<128xi32, #tpu.memory_space<vmem>>
        %dma_start3A_209 = arith.constant 0 : i32
        %dma_start3A_210 = arith.constant 0 : i32
        %dma_start3A_211 = tpu.memref_slice %arg3[%dma_start3A_209, %dma_start3A_210] : memref<1000000x64xf32, #tpu.memory_space<hbm>> -> memref<1000000x64xf32, #tpu.memory_space<hbm>>
        tpu.enqueue_indirect_dma source(%dma_start3A_211 : memref<1000000x64xf32, #tpu.memory_space<hbm>>) target(%arg6 : memref<128x64xf32, #tpu.memory_space<vmem>>) offsets(%dma_start3A_208 : memref<128xi32, #tpu.memory_space<vmem>>) semaphore(%arg9 : memref<!tpu.dma_semaphore, #tpu.memory_space<semaphore_mem>>)
      } else {
      }
    }
    %scan3A_84 = arith.constant 16 : i32
    %dma_wait3A_85 = arith.constant 47 : i32
    %dma_wait3A_86 = arith.constant 0 : i32
    %dma_wait3A_87 = arith.constant 0 : i32
    %dma_wait3A_88 = tpu.memref_slice %arg4[%add3A, %dma_wait3A_85, %dma_wait3A_86, %dma_wait3A_87] : memref<32x50x128x64xf32, #tpu.memory_space<hbm>> -> memref<1x1x128x64xf32, #tpu.memory_space<hbm>>
    %dma_wait3A_89 = tpu.memref_squeeze %dma_wait3A_88 : memref<1x1x128x64xf32, #tpu.memory_space<hbm>> -> memref<128x64xf32, #tpu.memory_space<hbm>>
    %dma_wait3A_90 = arith.constant 0 : i32
    %dma_wait3A_91 = arith.constant 0 : i32
    %dma_wait3A_92 = tpu.memref_slice %arg4[%add3A, %dma_wait3A_85, %dma_wait3A_90, %dma_wait3A_91] : memref<32x50x128x64xf32, #tpu.memory_space<hbm>> -> memref<1x1x128x64xf32, #tpu.memory_space<hbm>>
    %dma_wait3A_93 = tpu.memref_squeeze %dma_wait3A_92 : memref<1x1x128x64xf32, #tpu.memory_space<hbm>> -> memref<128x64xf32, #tpu.memory_space<hbm>>
    tpu.wait_dma2 semaphore(%arg14 : memref<!tpu.dma_semaphore, #tpu.memory_space<semaphore_mem>>) src(%arg8 : memref<128x64xf32, #tpu.memory_space<vmem>>) dst(%dma_wait3A_93 : memref<128x64xf32, #tpu.memory_space<hbm>>)
    %dma_wait3A_94 = arith.constant 48 : i32
    %dma_wait3A_95 = arith.constant 0 : i32
    %dma_wait3A_96 = arith.constant 0 : i32
    %dma_wait3A_97 = tpu.memref_slice %arg4[%add3A, %dma_wait3A_94, %dma_wait3A_95, %dma_wait3A_96] : memref<32x50x128x64xf32, #tpu.memory_space<hbm>> -> memref<1x1x128x64xf32, #tpu.memory_space<hbm>>
    %dma_wait3A_98 = tpu.memref_squeeze %dma_wait3A_97 : memref<1x1x128x64xf32, #tpu.memory_space<hbm>> -> memref<128x64xf32, #tpu.memory_space<hbm>>
    %dma_wait3A_99 = arith.constant 0 : i32
    %dma_wait3A_100 = arith.constant 0 : i32
    %dma_wait3A_101 = tpu.memref_slice %arg4[%add3A, %dma_wait3A_94, %dma_wait3A_99, %dma_wait3A_100] : memref<32x50x128x64xf32, #tpu.memory_space<hbm>> -> memref<1x1x128x64xf32, #tpu.memory_space<hbm>>
    %dma_wait3A_102 = tpu.memref_squeeze %dma_wait3A_101 : memref<1x1x128x64xf32, #tpu.memory_space<hbm>> -> memref<128x64xf32, #tpu.memory_space<hbm>>
    tpu.wait_dma2 semaphore(%arg12 : memref<!tpu.dma_semaphore, #tpu.memory_space<semaphore_mem>>) src(%arg6 : memref<128x64xf32, #tpu.memory_space<vmem>>) dst(%dma_wait3A_102 : memref<128x64xf32, #tpu.memory_space<hbm>>)
    %dma_wait3A_103 = arith.constant 49 : i32
    %dma_wait3A_104 = arith.constant 0 : i32
    %dma_wait3A_105 = arith.constant 0 : i32
    %dma_wait3A_106 = tpu.memref_slice %arg4[%add3A, %dma_wait3A_103, %dma_wait3A_104, %dma_wait3A_105] : memref<32x50x128x64xf32, #tpu.memory_space<hbm>> -> memref<1x1x128x64xf32, #tpu.memory_space<hbm>>
    %dma_wait3A_107 = tpu.memref_squeeze %dma_wait3A_106 : memref<1x1x128x64xf32, #tpu.memory_space<hbm>> -> memref<128x64xf32, #tpu.memory_space<hbm>>
    %dma_wait3A_108 = arith.constant 0 : i32
    %dma_wait3A_109 = arith.constant 0 : i32
    %dma_wait3A_110 = tpu.memref_slice %arg4[%add3A, %dma_wait3A_103, %dma_wait3A_108, %dma_wait3A_109] : memref<32x50x128x64xf32, #tpu.memory_space<hbm>> -> memref<1x1x128x64xf32, #tpu.memory_space<hbm>>
    %dma_wait3A_111 = tpu.memref_squeeze %dma_wait3A_110 : memref<1x1x128x64xf32, #tpu.memory_space<hbm>> -> memref<128x64xf32, #tpu.memory_space<hbm>>
    tpu.wait_dma2 semaphore(%arg13 : memref<!tpu.dma_semaphore, #tpu.memory_space<semaphore_mem>>) src(%arg7 : memref<128x64xf32, #tpu.memory_space<vmem>>) dst(%dma_wait3A_111 : memref<128x64xf32, #tpu.memory_space<hbm>>)
    return
  }
}

</mosaic_0001>

<sc_bundles>
// kernel: kernel.3.cloned.1.call-start
scs
__scs_entry_jumppad:
0x0: {  	(pc) =	sbr.rel $0x88, $3  }
0x1: {  	(tag) =	ssettag $0x0;
	lr =	simm.s32 $0x1  }
0x2: {  	[smem:$0x3F9F] =	sst lr;
	_ =	strace $0xD0000000  }
0x3: {  	_ = 	snop  }
0x4: {  	_ = 	snop  }
0x5: {  	_ = 	snop  }
0x6: {  	_ = 	snop  }
0x7: {  	_ = 	snop  }
__scs_overlays_trampoline_lowered:
0x8: {  	[smem:$0x3FAE] =	sst s0  }
0x9: {  	[smem:$0x3FAF] =	sst s1  }
0xa: {  	[smem:$0x3FB0] =	sst s2  }
0xb: {  	[smem:$0x3FB1] =	sst s3  }
0xc: {  	[smem:$0x3FB2] =	sst s4  }
0xd: {  	[smem:$0x3FB3] =	sst s5  }
0xe: {  	[smem:$0x3FB4] =	sst s6  }
0xf: {  	[smem:$0x3FB5] =	sst s7  }
0x10: {  	[smem:$0x3FB6] =	sst s8  }
0x11: {  	[smem:$0x3FB7] =	sst s9;
	s0 =	simm.s32 @!p0 $0x0  }
0x12: {  	s1 =	sld [smem:$0x3F9D];
	s0 =	simm.s32 @p0 $0x1  }
0x13: {  	[smem:$0x3FB8] =	sst s0;
	s0 =	simm.s32 @!p1 $0x0  }
0x14: {  	s2 =	sld [smem:$0x3F9C];
	s0 =	simm.s32 @p1 $0x1  }
0x15: {  	[smem:$0x3FB9] =	sst s0;
	s0 =	simm.s32 @!p2 $0x0  }
0x16: {  	s3 =	sld [smem:$0x3FDB];
	s0 =	simm.s32 @p2 $0x1  }
0x17: {  	s4 =	simm.s32 $0x1BF5;
	[smem:$0x3FBB] =	sst s0  }
0x18: {  	s0 =	sld [smem:$0x3F9E];
	_ =	swait.ge [sflag:s4], $0x0  }
0x19: {  	s7 =	sld [smem:$0x3F9F]  }
0x1a: {  	s8 =	sadd.s32 $0xFFFFE003, lr  }
0x1b: {  	s9 =	sadd.s32 $0xFFFFFEF7, lr;
	s5 =	simm.s32 $0xFFFFFFFF;
	p2 =	slt.u32 s8, $0xFFFFF086  }
0x1c: {  	p1 =	slt.u32 s9, $0xF7A;
	s5 =	simm.s32 @!p2 $0x0  }
0x1d: {  	s5 =	simm.s32 @p1 $0x1;
	p0 =	seq.s32 s7, s2  }
0x1e: {  	s7 =	smul.u32 @!p0 $0xF7A, s2;
	p2 =	seq.s32 @!p0 s5, $0x0  }
0x1f: {  	s9 =	smul.u32 $0xF7A, s1;
	s8 =	simm.s32 @!p0 $0x1BF5;
	p2 =	por !p2, p0  }
0x20: {  	[sflag:s8] =	ssyncset.s32 @!p0 $0xFFFFF086;
	s6 =	sadd.s32 @!p0 s3, s7;
	s7 =	simm.s32 @!p0 $0x108  }
0x21: {  	s3 =	sadd.s32 s3, s9;
	s6 =	sadd.s32 @!p0 $0x88, s6;
	s7 =	simm.s32 @p2 $0x1082  }
0x22: {  	[simem:s7], [sflag:s8] =	dma.local @!p0 [hbm:s6], $0xF7A  }
0x23: {  	s9 =	sor.u32 $0xD0000000, s2;
	s6 =	simm.s32 $0x108;
	_ =	swait.ge @!p0 [sflag:s8], $0x0  }
0x24: {  	s3 =	sadd.s32 $0x88, s3;
	s6 =	simm.s32 @!p1 $0x1082;
	[sflag:s4] =	ssyncset.s32 $0xFFFFF086  }
0x25: {  	[simem:s6], [sflag:s4] =	dma.local [hbm:s3], $0xF7A  }
0x26: {  	[smem:$0x3F9F] =	sst s1;
	(tag) =	ssettag s2;
	_ =	strace s9  }
0x27: {  	s1 =	sld [smem:$0x3FAF]  }
0x28: {  	s2 =	sld [smem:$0x3FB0]  }
0x29: {  	s4 =	sld [smem:$0x3FB2]  }
0x2a: {  	p0 =	seq.s32 s5, $0x0;
	s5 =	sld [smem:$0x3FB3]  }
0x2b: {  	s6 =	sld [smem:$0x3FB4]  }
0x2c: {  	s7 =	sld [smem:$0x3FB5]  }
0x2d: {  	s3 =	simm.s32 $0x108;
	s8 =	sld [smem:$0x3FB6]  }
0x2e: {  	s3 =	simm.s32 @!p0 $0x1082;
	s9 =	sld [smem:$0x3FB7]  }
0x2f: {  	lr =	sadd.s32 s0, s3;
	s0 =	sld [smem:$0x3FAE]  }
0x30: {  	s3 =	sld [smem:$0x3FB1]  }
0x31: {  	[smem:$0x3FBA] =	sst s10  }
0x32: {  	s10 =	sld [smem:$0x3FB8];
	_ =	sdelay $0x3  }
0x33: {  	p0 =	seq.s32 s10, $0x1;
	s10 =	sld [smem:$0x3FBA];
	_ =	sdelay $0x3  }
0x34: {  	[smem:$0x3FBA] =	sst s10  }
0x35: {  	s10 =	sld [smem:$0x3FB9];
	_ =	sdelay $0x3  }
0x36: {  	p1 =	seq.s32 s10, $0x1;
	s10 =	sld [smem:$0x3FBA];
	_ =	sdelay $0x3  }
0x37: {  	[smem:$0x3FBA] =	sst s10  }
0x38: {  	s10 =	sld [smem:$0x3FBB]  }
0x39: {  	_ = 	snop;
	(pc) =	sbr.ind lr, $3  }
0x3a: {  	_ = 	snop  }
0x3b: {  	_ = 	snop  }
0x3c: {  	p2 =	seq.s32 s10, $0x1;
	s10 =	sld [smem:$0x3FBA]  }
0x3d: {  	_ =	shalt  }
0x3e: {  	_ =	shalt  }
0x3f: {  	_ =	shalt  }
0x40: {  	_ =	shalt  }
0x41: {  	_ =	shalt  }
0x42: {  	_ =	shalt  }
0x43: {  	_ =	shalt  }
0x44: {  	_ =	shalt  }
0x45: {  	_ =	shalt  }
0x46: {  	_ =	shalt  }
0x47: {  	_ =	shalt  }
0x48: {  	_ =	shalt  }
0x49: {  	_ =	shalt  }
0x4a: {  	_ =	shalt  }
0x4b: {  	_ =	shalt  }
0x4c: {  	_ =	shalt  }
0x4d: {  	_ =	shalt  }
0x4e: {  	_ =	shalt  }
0x4f: {  	_ =	shalt  }
0x50: {  	_ =	shalt  }
0x51: {  	_ =	shalt  }
0x52: {  	_ =	shalt  }
0x53: {  	_ =	shalt  }
0x54: {  	_ =	shalt  }
0x55: {  	_ =	shalt  }
0x56: {  	_ =	shalt  }
0x57: {  	_ =	shalt  }
0x58: {  	_ =	shalt  }
0x59: {  	_ =	shalt  }
0x5a: {  	_ =	shalt  }
0x5b: {  	_ =	shalt  }
0x5c: {  	_ =	shalt  }
0x5d: {  	_ =	shalt  }
0x5e: {  	_ =	shalt  }
0x5f: {  	_ =	shalt  }
0x60: {  	_ =	shalt  }
0x61: {  	_ =	shalt  }
0x62: {  	_ =	shalt  }
0x63: {  	_ =	shalt  }
0x64: {  	_ =	shalt  }
0x65: {  	_ =	shalt  }
0x66: {  	_ =	shalt  }
0x67: {  	_ =	shalt  }
0x68: {  	_ =	shalt  }
0x69: {  	_ =	shalt  }
0x6a: {  	_ =	shalt  }
0x6b: {  	_ =	shalt  }
0x6c: {  	_ =	shalt  }
0x6d: {  	_ =	shalt  }
0x6e: {  	_ =	shalt  }
0x6f: {  	_ =	shalt  }
0x70: {  	_ =	shalt  }
0x71: {  	_ =	shalt  }
0x72: {  	_ =	shalt  }
0x73: {  	_ =	shalt  }
0x74: {  	_ =	shalt  }
0x75: {  	_ =	shalt  }
0x76: {  	_ =	shalt  }
0x77: {  	_ =	shalt  }
0x78: {  	_ =	shalt  }
0x79: {  	_ =	shalt  }
0x7a: {  	_ =	shalt  }
0x7b: {  	_ =	shalt  }
0x7c: {  	_ =	shalt  }
0x7d: {  	_ =	shalt  }
0x7e: {  	_ =	shalt  }
0x7f: {  	_ =	shalt  }
0x80: {  	_ =	shalt  }
0x81: {  	_ =	shalt  }
0x82: {  	_ =	shalt  }
0x83: {  	_ =	shalt  }
0x84: {  	_ =	shalt  }
0x85: {  	_ =	shalt  }
0x86: {  	_ =	shalt  }
0x87: {  	_ =	shalt  }
.Lfunc_end0:
.L_simem_size_0:
called_computation.1_lowered:
.L_overlay_start_0:
0x88: {  	s2 =	sld [smem:$0x3FD9]  }
0x89: {  	s3 =	sld [smem:$0x3FFE];
	_ =	sdelay $0x1  }
0x8a: {  	s1 =	srdreg.scid  }
0x8b: {  	s0 =	sand.u32 $0x1, s1  }
0x8c: {  	s17 =	sshll.u32 s0, $0xA;
	s2 =	sadd.s32 s3, s2  }
0x8d: {  	s2 =	sadd.s32 s2, s17  }
0x8e: {  	[smem:$0x3FC6] =	sst s2  }
0x8f: {  	_ = 	snop  }
0x90: {  	s2 =	sld [smem:$0x3FD0];
	(tm) =	ssettm $0x1  }
0x91: {  	s18 =	sld [smem:$0x3FFB];
	_ =	sdelay $0x3  }
0x92: {  	_ =	strace s18  }
0x93: {  	s3 =	sld [smem:$0x3FFC];
	_ =	sdelay $0x3  }
0x94: {  	_ =	strace s3  }
0x95: {  	s3 =	sld [smem:$0x3FFD];
	_ =	sdelay $0x3  }
0x96: {  	_ =	strace s3  }
0x97: {  	_ =	strace $0x8FFFFFFF  }
0x98: {  	s19 =	sld [smem:$0x3FDB];
	_ =	sdelay $0x1  }
0x99: {  	s4 =	simm.s32 $_scs_section_size  }
0x9a: {  	s5 =	simm.s32 $_size__tile_overlayer_lowered;
	s6 =	simm.s32 $_tile_overlayer_lowered  }
0x9b: {  	s22 =	simm.s32 $0x1BFF;
	s21 =	sshll.u32 s6, $0x1;
	s3 =	sadd.s32 s4, s19  }
0x9c: {  	s7 =	simm.s32 $0x0;
	s20 =	sshll.u32 s5, $0x1;
	s5 =	sadd.s32 s21, s3  }
0x9d: {  	[timem:s7], [sflag:s22] =	dma.local [hbm:s5], s20  }
0x9e: {  	_ =	swait.ge [sflag:s22], s20  }
0x9f: {  	s4 =	ssub.s32 $0x0, s20;
	[sflag:s22] =	ssyncset.done $0x0  }
0xa0: {  	[sflag:s22] =	ssyncadd.s32 s4;
	_ =	sdelay $0x1  }
0xa1: {  	s23 =	simm.s32 $0x1B8B  }
0xa2: {  	_ =	swait.ge [sflag:s23], $0x1  }
0xa3: {  	[sflag:s23] =	ssyncset.done $0x0  }
0xa4: {  	s25 =	simm.s32 $0x1B8E;
	s24 =	sld [smem:$0x3FFE];
	[sflag:s23] =	ssyncadd.s32 $0xFFFFFFFF  }
0xa5: {  	s26 =	simm.s32 $execute0_lowered;
	[smem:$0x3FD2] =	sst s25  }
0xa6: {  	s5 =	sshll.u32 s26, $0x1;
	_ =	strace $0x80000046;
	[dreg:$0x1] =	wrdreg $0xFFFFFFFF  }
0xa7: {  	s28 =	simm.s32 $_size_execute0_lowered;
	s3 =	sadd.s32 s3, s5;
	[dreg:$0x0] =	wrdreg $0x0  }
0xa8: {  	s5 =	sshll.u32 s28, $0x1;
	[dreg:$0x2] =	wrdreg s3  }
0xa9: {  	[dreg:$0x3] =	wrdreg s5  }
0xaa: {  	[dreg:$0x4] =	wrdreg $0xC0  }
0xab: {  	_ =	task [dreg:s7], $0x5FFFF  }
0xac: {  	[dreg:$0x1] =	wrdreg $0xFFFFFFFF  }
0xad: {  	[dreg:$0x0] =	wrdreg $0x60  }
0xae: {  	[dreg:$0x2] =	wrdreg s24  }
0xaf: {  	[dreg:$0x3] =	wrdreg s2  }
0xb0: {  	[dreg:$0x4] =	wrdreg $0x9  }
0xb1: {  	_ =	task.clear_ibuf [dreg:s7], $0x5FFFF;
	_ =	strace $0x90000046  }
0xb2: {  	s29 =	simm.s32 $0x9;
	_ =	strace $0x80000048  }
0xb3: {  	_ =	swait.ge [sflag:s29], $0x1  }
0xb4: {  	[sflag:s29] =	ssyncadd.s32 $0xFFFFFFFF  }
0xb5: {  	_ =	strace $0x90000048  }
0xb6: {  	_ =	sfence  }
0xb7: {  	s30 =	sld [smem:$0x0];
	_ =	sdelay $0x2  }
0xb8: {  	s31 =	sshll.u32 s1, $0xD;
	s1 =	sshrl.u32 s1, $0x2  }
0xb9: {  	s3 =	sand.u32 $0x4000, s31;
	s1 =	sadd.s32 s1, s30  }
0xba: {  	s0 =	sor.u32 s3, s0;
	s1 =	sshll.u32 s1, $0x11  }
0xbb: {  	s0 =	sor.u32 s1, s0  }
0xbc: {  	s0 =	sadd.s32 $0x8F2B, s0  }
0xbd: {  	[sflag:s0] =	ssyncadd.remote.s32 $0x1  }
0xbe: {  	_ =	sfence.sel $0xFFFF  }
0xbf: {  	[dreg:$0x0] =	wrdreg $0xFFFFFFFF;
	(pc) =	sbr.abs _section_cstart, $3  }
0xc0: {  	[dreg:$0x1] =	wrdreg $0xFFFFFFFF  }
0xc1: {  	_ =	task.clear_ibuf [dreg:s7], $0x2FFFF;
	_ =	strace $0x9FFFFFFF  }
0xc2: {  	(tm) =	ssettm $0x7FFFFFFF  }
0xc3: {  	_ =	shalt  }
tec
execute0_lowered:
.L_overlay_start_1:
0x0: {  	(tag) =	ssettag $0x1  }
0x1: {  	s1 =	srdreg.scid;
	s4 =	rddreg [dreg:$0x0]  }
0x2: {  	s0 =	stileid.u32;
	s2 =	rddreg [dreg:$0x1]  }
0x3: {  	s3 =	simm.s32 $0x0;
	s12 =	simm.s32 $0x7;
	s13 =	simm.s32 $0x80  }
0x4: {  	s14 =	simm.s32 $0x1900;
	s15 =	simm.s32 $0x3900;
	s16 =	simm.s32 $0x1  }
0x5: {  	s17 =	simm.s32 $0x100;
	s18 =	simm.s32 $0x5900;
	s19 =	simm.s32 $0x2  }
0x6: {  	s20 =	simm.s32 $0x4;
	s5 =	sand.u32 $0x1, s1;
	s28 =	sshll.u32 s0, $0x1  }
0x7: {  	s21 =	simm.s32 $0x180;
	s22 =	simm.s32 $0x3;
	s6 =	sor.u32 s5, s28  }
0x8: {  	s23 =	simm.s32 $0x5;
	s24 =	simm.s32 $0x6;
	s7 =	smul.u32 $0x320, s6  }
0x9: {  	s25 =	simm.s32 $0x0;
	s30 =	ssub.s32 $0x2, s5;
	s10 =	smul.u32 $0x64000, s6  }
.Ltmp0:
0xa: {  	[smem:$0x7FF] =	sst s3;
	s8 =	sshrl.u32 s30, $0x1;
	(pc) =	sbr.rel .LBB2_1-.Ltmp0, $4  }
0xb: {  	_ =	strace $0x80000047;
	s11 =	ssub.s32 s30, s8;
	s29 =	sadd.s32 s7, s4  }
0xc: {  	s31 =	sshrl.u32 s10, $0x3;
	s4 =	sadd.s32 $0xF42E00, s4;
	s8 =	sadd.s32 $0x4000, s10  }
0xd: {  	s9 =	sadd.s32 $0x6000, s10;
	s10 =	sadd.s32 $0x8000, s10;
	s5 =	sadd.s32 s2, s31  }
0xe: {  	s11 =	smax.u32 s11, $0x1;
	s6 =	sadd.s32 $0xA00, s29;
	s7 =	sadd.s32 $0x400, s5  }
.LBB2_14:
0xf: {  	_ =	swait.ge [sflag:s24], $0x2000  }
0x10: {  	[sflag:s24] =	ssyncset.done $0x0  }
0x11: {  	s25 =	sadd.s32 $0x1, s25;
	[sflag:s24] =	ssyncadd.s32 $0xFFFFE000  }
0x12: {  	p0 =	sne.s32 s25, s11;
	_ =	swait.ge [sflag:s20], $0x2000  }
.Ltmp1:
0x13: {  	[sflag:s20] =	ssyncset.done $0x0;
	(pc) =	sbr.rel @!p0 .LBB2_15-.Ltmp1, $4  }
0x14: {  	[sflag:s20] =	ssyncadd.s32 $0xFFFFE000  }
0x15: {  	_ =	swait.ge [sflag:s23], $0x2000  }
0x16: {  	[sflag:s23] =	ssyncset.done $0x0  }
0x17: {  	[sflag:s23] =	ssyncadd.s32 $0xFFFFE000  }
.LBB2_1:
0x18: {  	[tilespmem:s3], [sflag:$0x7] =	stream.linear.gather [hbm4b:s6+s3], $0x1900, $0x38;
	[tilespmem:$0x7900] =	vst v63  }
0x19: {  	_ =	swait.ge [sflag:s12], $0x1900  }
0x1a: {  	[sflag:s12] =	ssyncset.done $0x0  }
0x1b: {  	[sflag:s12] =	ssyncadd.s32 $0xFFFFE700  }
0x1c: {  	[tilespmem:s14], [sflag:$0x1] =	stream.indirect.gather [hbm4b:s4+s13], $0x40, s3, s13, $0xb8;
	[tilespmem:$0x7900] =	vst v63  }
0x1d: {  	_ = 	snop  }
0x1e: {  	[tilespmem:s15], [sflag:$0x2] =	stream.indirect.gather [hbm4b:s4+s13], $0x40, s13, s13, $0xb8;
	[tilespmem:$0x7900] =	vst v63  }
0x1f: {  	_ =	swait.ge [sflag:s16], $0x2000  }
0x20: {  	[sflag:s16] =	ssyncset.done $0x0  }
0x21: {  	s26 =	simm.s32 $0x0;
	[sflag:s16] =	ssyncadd.s32 $0xFFFFE000  }
0x22: {  	v0 =	vld [tilespmem:s26+$0x1900]  }
0x23: {  	v1 =	vld [tilespmem:s26+$0x1910]  }
0x24: {  	v2 =	vld [tilespmem:s26+$0x1920]  }
0x25: {  	v3 =	vld [tilespmem:s26+$0x1930]  }
0x26: {  	v4 =	vld [tilespmem:s26+$0x1940]  }
0x27: {  	v5 =	vld [tilespmem:s26+$0x1950];
	v0 =	vmul.f32 $8.000000000e+00, v0  }
0x28: {  	v6 =	vld [tilespmem:s26+$0x1960];
	v1 =	vmul.f32 $8.000000000e+00, v1  }
0x29: {  	v7 =	vld [tilespmem:s26+$0x1970];
	[tilespmem:s26+$0x1900] =	vst v0;
	v0 =	vmul.f32 $8.000000000e+00, v2  }
0x2a: {  	v8 =	vld [tilespmem:s26+$0x1980];
	[tilespmem:s26+$0x1910] =	vst v1;
	v1 =	vmul.f32 $8.000000000e+00, v3  }
0x2b: {  	v9 =	vld [tilespmem:s26+$0x1990];
	[tilespmem:s26+$0x1920] =	vst v0;
	v0 =	vmul.f32 $8.000000000e+00, v4  }
0x2c: {  	v2 =	vmul.f32 $8.000000000e+00, v5;
	[tilespmem:s26+$0x1930] =	vst v1;
	v1 =	vld [tilespmem:s26+$0x19A0]  }
0x2d: {  	v3 =	vmul.f32 $8.000000000e+00, v6;
	[tilespmem:s26+$0x1940] =	vst v0;
	v0 =	vld [tilespmem:s26+$0x19B0]  }
0x2e: {  	[tilespmem:s26+$0x1950] =	vst v2;
	v2 =	vld [tilespmem:s26+$0x19C0];
	v4 =	vmul.f32 $8.000000000e+00, v7  }
0x2f: {  	v6 =	vmul.f32 $8.000000000e+00, v8;
	[tilespmem:s26+$0x1960] =	vst v3;
	v3 =	vld [tilespmem:s26+$0x19D0]  }
0x30: {  	s28 =	simm.s32 $0x400;
	v5 =	vmul.f32 $8.000000000e+00, v9;
	[tilespmem:s26+$0x1970] =	vst v4;
	v4 =	vld [tilespmem:s26+$0x19E0]  }
.LBB2_2:
0x31: {  	s29 =	sshra.s32 s28, $0x2;
	p0 =	sne.s32 s28, $0x7C00;
	[tilespmem:s26+$0x1980] =	vst v6;
	v1 =	vmul.f32 $8.000000000e+00, v1;
	v6 =	vld [tilespmem:s26+$0x19F0]  }
0x32: {  	v7 =	vld [tilespmem:s29+$0x1900];
	[tilespmem:s26+$0x1990] =	vst v5;
	v0 =	vmul.f32 $8.000000000e+00, v0  }
0x33: {  	v5 =	vld [tilespmem:s29+$0x1910];
	[tilespmem:s26+$0x19A0] =	vst v1;
	v1 =	vmul.f32 $8.000000000e+00, v2  }
0x34: {  	v2 =	vld [tilespmem:s29+$0x1920];
	[tilespmem:s26+$0x19B0] =	vst v0;
	v0 =	vmul.f32 $8.000000000e+00, v3  }
0x35: {  	v3 =	vld [tilespmem:s29+$0x1930];
	[tilespmem:s26+$0x19C0] =	vst v1;
	v1 =	vmul.f32 $8.000000000e+00, v4  }
0x36: {  	v4 =	vld [tilespmem:s29+$0x1940];
	[tilespmem:s26+$0x19D0] =	vst v0;
	v0 =	vmul.f32 $8.000000000e+00, v6  }
0x37: {  	v6 =	vmul.f32 $8.000000000e+00, v7;
	v7 =	vld [tilespmem:s29+$0x1950];
	[tilespmem:s26+$0x19E0] =	vst v1  }
0x38: {  	v1 =	vmul.f32 $8.000000000e+00, v5;
	v5 =	vld [tilespmem:s29+$0x1960];
	[tilespmem:s26+$0x19F0] =	vst v0;
	s26 =	smov.u32 s29  }
0x39: {  	[tilespmem:s26+$0x1900] =	vst v6;
	v0 =	vmul.f32 $8.000000000e+00, v2;
	v2 =	vld [tilespmem:s26+$0x1970]  }
0x3a: {  	[tilespmem:s26+$0x1910] =	vst v1;
	v1 =	vmul.f32 $8.000000000e+00, v3;
	v3 =	vld [tilespmem:s26+$0x1980]  }
0x3b: {  	[tilespmem:s26+$0x1920] =	vst v0;
	v0 =	vmul.f32 $8.000000000e+00, v4;
	v4 =	vld [tilespmem:s26+$0x1990]  }
.Ltmp2:
0x3c: {  	[tilespmem:s26+$0x1930] =	vst v1;
	v6 =	vmul.f32 $8.000000000e+00, v7;
	v1 =	vld [tilespmem:s26+$0x19A0];
	(pc) =	sbr.rel @p0 .LBB2_2-.Ltmp2, $4  }
0x3d: {  	[tilespmem:s26+$0x1940] =	vst v0;
	v5 =	vmul.f32 $8.000000000e+00, v5;
	v0 =	vld [tilespmem:s26+$0x19B0]  }
0x3e: {  	[tilespmem:s26+$0x1950] =	vst v6;
	v7 =	vmul.f32 $8.000000000e+00, v2;
	v2 =	vld [tilespmem:s26+$0x19C0]  }
0x3f: {  	[tilespmem:s26+$0x1960] =	vst v5;
	v6 =	vmul.f32 $8.000000000e+00, v3;
	v3 =	vld [tilespmem:s26+$0x19D0]  }
0x40: {  	s28 =	sadd.s32 $0x400, s28;
	[tilespmem:s26+$0x1970] =	vst v7;
	v5 =	vmul.f32 $8.000000000e+00, v4;
	v4 =	vld [tilespmem:s26+$0x19E0]  }
0x41: {  	[tilespmem:s26+$0x1980] =	vst v6;
	v1 =	vmul.f32 $8.000000000e+00, v1;
	v6 =	vld [tilespmem:s26+$0x19F0]  }
0x42: {  	[tilespmem:s26+$0x1990] =	vst v5;
	v0 =	vmul.f32 $8.000000000e+00, v0  }
0x43: {  	[tilespmem:s26+$0x19A0] =	vst v1;
	v1 =	vmul.f32 $8.000000000e+00, v2  }
0x44: {  	[tilespmem:s26+$0x19B0] =	vst v0;
	v0 =	vmul.f32 $8.000000000e+00, v3  }
0x45: {  	[tilespmem:s26+$0x19C0] =	vst v1;
	v1 =	vmul.f32 $8.000000000e+00, v4  }
0x46: {  	[tilespmem:s26+$0x19D0] =	vst v0;
	v0 =	vmul.f32 $8.000000000e+00, v6  }
0x47: {  	[tilespmem:s26+$0x19E0] =	vst v1  }
0x48: {  	s31 =	simm.s32 $0x0;
	[tilespmem:s26+$0x19F0] =	vst v0  }
0x49: {  	[hbm4b:s5+s31] =	stream.linear.scatter [tilespmem:s14], [sflag:$0x4], $0x2000, $0x38;
	[tilespmem:$0x7900] =	vst v63  }
0x4a: {  	_ = 	snop  }
0x4b: {  	[tilespmem:s18], [sflag:$0x3] =	stream.indirect.gather [hbm4b:s4+s13], $0x40, s17, s13, $0xb8;
	[tilespmem:$0x7900] =	vst v63  }
0x4c: {  	_ =	swait.ge [sflag:s19], $0x2000  }
0x4d: {  	[sflag:s19] =	ssyncset.done $0x0  }
0x4e: {  	s26 =	simm.s32 $0x0;
	[sflag:s19] =	ssyncadd.s32 $0xFFFFE000  }
0x4f: {  	v0 =	vld [tilespmem:s26+$0x3900]  }
0x50: {  	v1 =	vld [tilespmem:s26+$0x3910]  }
0x51: {  	v2 =	vld [tilespmem:s26+$0x3920]  }
0x52: {  	v3 =	vld [tilespmem:s26+$0x3930]  }
0x53: {  	v4 =	vld [tilespmem:s26+$0x3940]  }
0x54: {  	v5 =	vld [tilespmem:s26+$0x3950];
	v0 =	vmul.f32 $8.000000000e+00, v0  }
0x55: {  	v6 =	vld [tilespmem:s26+$0x3960];
	v1 =	vmul.f32 $8.000000000e+00, v1  }
0x56: {  	v7 =	vld [tilespmem:s26+$0x3970];
	[tilespmem:s26+$0x3900] =	vst v0;
	v0 =	vmul.f32 $8.000000000e+00, v2  }
0x57: {  	v8 =	vld [tilespmem:s26+$0x3980];
	[tilespmem:s26+$0x3910] =	vst v1;
	v1 =	vmul.f32 $8.000000000e+00, v3  }
0x58: {  	v9 =	vld [tilespmem:s26+$0x3990];
	[tilespmem:s26+$0x3920] =	vst v0;
	v0 =	vmul.f32 $8.000000000e+00, v4  }
0x59: {  	v2 =	vmul.f32 $8.000000000e+00, v5;
	[tilespmem:s26+$0x3930] =	vst v1;
	v1 =	vld [tilespmem:s26+$0x39A0]  }
0x5a: {  	v3 =	vmul.f32 $8.000000000e+00, v6;
	[tilespmem:s26+$0x3940] =	vst v0;
	v0 =	vld [tilespmem:s26+$0x39B0]  }
0x5b: {  	[tilespmem:s26+$0x3950] =	vst v2;
	v2 =	vld [tilespmem:s26+$0x39C0];
	v4 =	vmul.f32 $8.000000000e+00, v7  }
0x5c: {  	v6 =	vmul.f32 $8.000000000e+00, v8;
	[tilespmem:s26+$0x3960] =	vst v3;
	v3 =	vld [tilespmem:s26+$0x39D0]  }
0x5d: {  	s28 =	simm.s32 $0x400;
	v5 =	vmul.f32 $8.000000000e+00, v9;
	[tilespmem:s26+$0x3970] =	vst v4;
	v4 =	vld [tilespmem:s26+$0x39E0]  }
.LBB2_4:
0x5e: {  	s29 =	sshra.s32 s28, $0x2;
	p0 =	sne.s32 s28, $0x7C00;
	[tilespmem:s26+$0x3980] =	vst v6;
	v1 =	vmul.f32 $8.000000000e+00, v1;
	v6 =	vld [tilespmem:s26+$0x39F0]  }
0x5f: {  	v7 =	vld [tilespmem:s29+$0x3900];
	[tilespmem:s26+$0x3990] =	vst v5;
	v0 =	vmul.f32 $8.000000000e+00, v0  }
0x60: {  	v5 =	vld [tilespmem:s29+$0x3910];
	[tilespmem:s26+$0x39A0] =	vst v1;
	v1 =	vmul.f32 $8.000000000e+00, v2  }
0x61: {  	v2 =	vld [tilespmem:s29+$0x3920];
	[tilespmem:s26+$0x39B0] =	vst v0;
	v0 =	vmul.f32 $8.000000000e+00, v3  }
0x62: {  	v3 =	vld [tilespmem:s29+$0x3930];
	[tilespmem:s26+$0x39C0] =	vst v1;
	v1 =	vmul.f32 $8.000000000e+00, v4  }
0x63: {  	v4 =	vld [tilespmem:s29+$0x3940];
	[tilespmem:s26+$0x39D0] =	vst v0;
	v0 =	vmul.f32 $8.000000000e+00, v6  }
0x64: {  	v6 =	vmul.f32 $8.000000000e+00, v7;
	v7 =	vld [tilespmem:s29+$0x3950];
	[tilespmem:s26+$0x39E0] =	vst v1  }
0x65: {  	v1 =	vmul.f32 $8.000000000e+00, v5;
	v5 =	vld [tilespmem:s29+$0x3960];
	[tilespmem:s26+$0x39F0] =	vst v0;
	s26 =	smov.u32 s29  }
0x66: {  	[tilespmem:s26+$0x3900] =	vst v6;
	v0 =	vmul.f32 $8.000000000e+00, v2;
	v2 =	vld [tilespmem:s26+$0x3970]  }
0x67: {  	[tilespmem:s26+$0x3910] =	vst v1;
	v1 =	vmul.f32 $8.000000000e+00, v3;
	v3 =	vld [tilespmem:s26+$0x3980]  }
0x68: {  	[tilespmem:s26+$0x3920] =	vst v0;
	v0 =	vmul.f32 $8.000000000e+00, v4;
	v4 =	vld [tilespmem:s26+$0x3990]  }
.Ltmp3:
0x69: {  	[tilespmem:s26+$0x3930] =	vst v1;
	v6 =	vmul.f32 $8.000000000e+00, v7;
	v1 =	vld [tilespmem:s26+$0x39A0];
	(pc) =	sbr.rel @p0 .LBB2_4-.Ltmp3, $4  }
0x6a: {  	[tilespmem:s26+$0x3940] =	vst v0;
	v5 =	vmul.f32 $8.000000000e+00, v5;
	v0 =	vld [tilespmem:s26+$0x39B0]  }
0x6b: {  	[tilespmem:s26+$0x3950] =	vst v6;
	v7 =	vmul.f32 $8.000000000e+00, v2;
	v2 =	vld [tilespmem:s26+$0x39C0]  }
0x6c: {  	[tilespmem:s26+$0x3960] =	vst v5;
	v6 =	vmul.f32 $8.000000000e+00, v3;
	v3 =	vld [tilespmem:s26+$0x39D0]  }
0x6d: {  	s28 =	sadd.s32 $0x400, s28;
	[tilespmem:s26+$0x3970] =	vst v7;
	v5 =	vmul.f32 $8.000000000e+00, v4;
	v4 =	vld [tilespmem:s26+$0x39E0]  }
0x6e: {  	[tilespmem:s26+$0x3980] =	vst v6;
	v1 =	vmul.f32 $8.000000000e+00, v1;
	v59 =	vld [tilespmem:s26+$0x39F0]  }
0x6f: {  	[tilespmem:s26+$0x3990] =	vst v5;
	v0 =	vmul.f32 $8.000000000e+00, v0  }
0x70: {  	[tilespmem:s26+$0x39A0] =	vst v1;
	v60 =	vmul.f32 $8.000000000e+00, v2  }
0x71: {  	[tilespmem:s26+$0x39B0] =	vst v0;
	v61 =	vmul.f32 $8.000000000e+00, v3  }
0x72: {  	[tilespmem:s26+$0x39C0] =	vst v60;
	v62 =	vmul.f32 $8.000000000e+00, v4  }
0x73: {  	[tilespmem:s26+$0x39D0] =	vst v61;
	v63 =	vmul.f32 $8.000000000e+00, v59  }
0x74: {  	[tilespmem:s26+$0x39E0] =	vst v62  }
0x75: {  	[tilespmem:s26+$0x39F0] =	vst v63;
	s26 =	simm.s32 $0x0  }
0x76: {  	[hbm4b:s7+s26] =	stream.linear.scatter [tilespmem:s15], [sflag:$0x5], $0x2000, $0x38;
	[tilespmem:$0x7900] =	vst v63  }
0x77: {  	_ =	swait.ge [sflag:s20], $0x2000  }
0x78: {  	[sflag:s20] =	ssyncset.done $0x0  }
0x79: {  	[sflag:s20] =	ssyncadd.s32 $0xFFFFE000  }
0x7a: {  	[tilespmem:s14], [sflag:$0x1] =	stream.indirect.gather [hbm4b:s4+s13], $0x40, s21, s13, $0xb8;
	[tilespmem:$0x7900] =	vst v63  }
.LBB2_6:
0x7b: {  	_ =	swait.ge [sflag:s22], $0x2000  }
0x7c: {  	[sflag:s22] =	ssyncset.done $0x0  }
0x7d: {  	s29 =	simm.s32 $0x0;
	[sflag:s22] =	ssyncadd.s32 $0xFFFFE000  }
0x7e: {  	v0 =	vld [tilespmem:s29+$0x5900]  }
0x7f: {  	v1 =	vld [tilespmem:s29+$0x5910]  }
0x80: {  	v2 =	vld [tilespmem:s29+$0x5920]  }
0x81: {  	v3 =	vld [tilespmem:s29+$0x5930]  }
0x82: {  	v4 =	vld [tilespmem:s29+$0x5940]  }
0x83: {  	v5 =	vld [tilespmem:s29+$0x5950];
	v0 =	vmul.f32 $8.000000000e+00, v0  }
0x84: {  	v6 =	vld [tilespmem:s29+$0x5960];
	v1 =	vmul.f32 $8.000000000e+00, v1  }
0x85: {  	v7 =	vld [tilespmem:s29+$0x5970];
	[tilespmem:s29+$0x5900] =	vst v0;
	v0 =	vmul.f32 $8.000000000e+00, v2  }
0x86: {  	v8 =	vld [tilespmem:s29+$0x5980];
	[tilespmem:s29+$0x5910] =	vst v1;
	v1 =	vmul.f32 $8.000000000e+00, v3  }
0x87: {  	v9 =	vld [tilespmem:s29+$0x5990];
	[tilespmem:s29+$0x5920] =	vst v0;
	v0 =	vmul.f32 $8.000000000e+00, v4  }
0x88: {  	v2 =	vmul.f32 $8.000000000e+00, v5;
	[tilespmem:s29+$0x5930] =	vst v1;
	v1 =	vld [tilespmem:s29+$0x59A0]  }
0x89: {  	v3 =	vmul.f32 $8.000000000e+00, v6;
	[tilespmem:s29+$0x5940] =	vst v0;
	v0 =	vld [tilespmem:s29+$0x59B0]  }
0x8a: {  	[tilespmem:s29+$0x5950] =	vst v2;
	v2 =	vld [tilespmem:s29+$0x59C0];
	v4 =	vmul.f32 $8.000000000e+00, v7  }
0x8b: {  	v6 =	vmul.f32 $8.000000000e+00, v8;
	[tilespmem:s29+$0x5960] =	vst v3;
	v3 =	vld [tilespmem:s29+$0x59D0]  }
0x8c: {  	s28 =	simm.s32 $0x400;
	v5 =	vmul.f32 $8.000000000e+00, v9;
	[tilespmem:s29+$0x5970] =	vst v4;
	v4 =	vld [tilespmem:s29+$0x59E0]  }
.LBB2_7:
0x8d: {  	s30 =	sshra.s32 s28, $0x2;
	p0 =	sne.s32 s28, $0x7C00;
	[tilespmem:s29+$0x5980] =	vst v6;
	v1 =	vmul.f32 $8.000000000e+00, v1;
	v6 =	vld [tilespmem:s29+$0x59F0]  }
0x8e: {  	v7 =	vld [tilespmem:s30+$0x5900];
	[tilespmem:s29+$0x5990] =	vst v5;
	v0 =	vmul.f32 $8.000000000e+00, v0  }
0x8f: {  	v5 =	vld [tilespmem:s30+$0x5910];
	[tilespmem:s29+$0x59A0] =	vst v1;
	v1 =	vmul.f32 $8.000000000e+00, v2  }
0x90: {  	v2 =	vld [tilespmem:s30+$0x5920];
	[tilespmem:s29+$0x59B0] =	vst v0;
	v0 =	vmul.f32 $8.000000000e+00, v3  }
0x91: {  	v3 =	vld [tilespmem:s30+$0x5930];
	[tilespmem:s29+$0x59C0] =	vst v1;
	v1 =	vmul.f32 $8.000000000e+00, v4  }
0x92: {  	v4 =	vld [tilespmem:s30+$0x5940];
	[tilespmem:s29+$0x59D0] =	vst v0;
	v0 =	vmul.f32 $8.000000000e+00, v6  }
0x93: {  	v6 =	vmul.f32 $8.000000000e+00, v7;
	v7 =	vld [tilespmem:s30+$0x5950];
	[tilespmem:s29+$0x59E0] =	vst v1  }
0x94: {  	v1 =	vmul.f32 $8.000000000e+00, v5;
	v5 =	vld [tilespmem:s30+$0x5960];
	[tilespmem:s29+$0x59F0] =	vst v0;
	s29 =	smov.u32 s30  }
0x95: {  	[tilespmem:s29+$0x5900] =	vst v6;
	v0 =	vmul.f32 $8.000000000e+00, v2;
	v2 =	vld [tilespmem:s29+$0x5970]  }
0x96: {  	[tilespmem:s29+$0x5910] =	vst v1;
	v1 =	vmul.f32 $8.000000000e+00, v3;
	v3 =	vld [tilespmem:s29+$0x5980]  }
0x97: {  	[tilespmem:s29+$0x5920] =	vst v0;
	v0 =	vmul.f32 $8.000000000e+00, v4;
	v4 =	vld [tilespmem:s29+$0x5990]  }
.Ltmp4:
0x98: {  	[tilespmem:s29+$0x5930] =	vst v1;
	v6 =	vmul.f32 $8.000000000e+00, v7;
	v1 =	vld [tilespmem:s29+$0x59A0];
	(pc) =	sbr.rel @p0 .LBB2_7-.Ltmp4, $4  }
0x99: {  	[tilespmem:s29+$0x5940] =	vst v0;
	v5 =	vmul.f32 $8.000000000e+00, v5;
	v0 =	vld [tilespmem:s29+$0x59B0]  }
0x9a: {  	[tilespmem:s29+$0x5950] =	vst v6;
	v7 =	vmul.f32 $8.000000000e+00, v2;
	v2 =	vld [tilespmem:s29+$0x59C0]  }
0x9b: {  	[tilespmem:s29+$0x5960] =	vst v5;
	v6 =	vmul.f32 $8.000000000e+00, v3;
	v3 =	vld [tilespmem:s29+$0x59D0]  }
0x9c: {  	s28 =	sadd.s32 $0x400, s28;
	[tilespmem:s29+$0x5970] =	vst v7;
	v5 =	vmul.f32 $8.000000000e+00, v4;
	v4 =	vld [tilespmem:s29+$0x59E0]  }
0x9d: {  	[tilespmem:s29+$0x5980] =	vst v6;
	v1 =	vmul.f32 $8.000000000e+00, v1;
	v6 =	vld [tilespmem:s29+$0x59F0]  }
0x9e: {  	[tilespmem:s29+$0x5990] =	vst v5;
	v0 =	vmul.f32 $8.000000000e+00, v0  }
0x9f: {  	[tilespmem:s29+$0x59A0] =	vst v1;
	v1 =	vmul.f32 $8.000000000e+00, v2  }
0xa0: {  	s28 =	smul.u32 $0x6000, s26;
	[tilespmem:s29+$0x59B0] =	vst v0;
	v0 =	vmul.f32 $8.000000000e+00, v3  }
0xa1: {  	[tilespmem:s29+$0x59C0] =	vst v1;
	v1 =	vmul.f32 $8.000000000e+00, v4  }
0xa2: {  	s30 =	sadd.s32 s28, s8;
	[tilespmem:s29+$0x59D0] =	vst v0;
	v0 =	vmul.f32 $8.000000000e+00, v6  }
0xa3: {  	s30 =	sshrl.u32 s30, $0x3;
	[tilespmem:s29+$0x59E0] =	vst v1  }
0xa4: {  	[tilespmem:s29+$0x59F0] =	vst v0;
	s29 =	sadd.s32 s2, s30;
	s30 =	simm.s32 $0x0  }
0xa5: {  	[hbm4b:s29+s30] =	stream.linear.scatter [tilespmem:s18], [sflag:$0x6], $0x2000, $0x38;
	[tilespmem:$0x7900] =	vst v63  }
0xa6: {  	s29 =	smul.u32 $0x600, s26  }
0xa7: {  	_ =	swait.ge [sflag:s23], $0x2000  }
0xa8: {  	[sflag:s23] =	ssyncset.done $0x0;
	s29 =	sshra.s32 s29, $0x2  }
0xa9: {  	[sflag:s23] =	ssyncadd.s32 $0xFFFFE000;
	s30 =	sadd.s32 $0x200, s29  }
0xaa: {  	[tilespmem:s15], [sflag:$0x2] =	stream.indirect.gather [hbm4b:s4+s13], $0x40, s30, s13, $0xb8;
	[tilespmem:$0x7900] =	vst v63  }
0xab: {  	_ =	swait.ge [sflag:s16], $0x2000  }
0xac: {  	[sflag:s16] =	ssyncset.done $0x0  }
0xad: {  	s30 =	simm.s32 $0x0;
	[sflag:s16] =	ssyncadd.s32 $0xFFFFE000  }
0xae: {  	v0 =	vld [tilespmem:s30+$0x1900]  }
0xaf: {  	v1 =	vld [tilespmem:s30+$0x1910]  }
0xb0: {  	v2 =	vld [tilespmem:s30+$0x1920]  }
0xb1: {  	v3 =	vld [tilespmem:s30+$0x1930]  }
0xb2: {  	v4 =	vld [tilespmem:s30+$0x1940]  }
0xb3: {  	v5 =	vld [tilespmem:s30+$0x1950];
	v0 =	vmul.f32 $8.000000000e+00, v0  }
0xb4: {  	v6 =	vld [tilespmem:s30+$0x1960];
	v1 =	vmul.f32 $8.000000000e+00, v1  }
0xb5: {  	v7 =	vld [tilespmem:s30+$0x1970];
	[tilespmem:s30+$0x1900] =	vst v0;
	v0 =	vmul.f32 $8.000000000e+00, v2  }
0xb6: {  	v8 =	vld [tilespmem:s30+$0x1980];
	[tilespmem:s30+$0x1910] =	vst v1;
	v1 =	vmul.f32 $8.000000000e+00, v3  }
0xb7: {  	v9 =	vld [tilespmem:s30+$0x1990];
	[tilespmem:s30+$0x1920] =	vst v0;
	v0 =	vmul.f32 $8.000000000e+00, v4  }
0xb8: {  	v2 =	vmul.f32 $8.000000000e+00, v5;
	[tilespmem:s30+$0x1930] =	vst v1;
	v1 =	vld [tilespmem:s30+$0x19A0]  }
0xb9: {  	v3 =	vmul.f32 $8.000000000e+00, v6;
	[tilespmem:s30+$0x1940] =	vst v0;
	v0 =	vld [tilespmem:s30+$0x19B0]  }
0xba: {  	[tilespmem:s30+$0x1950] =	vst v2;
	v2 =	vld [tilespmem:s30+$0x19C0];
	v4 =	vmul.f32 $8.000000000e+00, v7  }
0xbb: {  	v6 =	vmul.f32 $8.000000000e+00, v8;
	[tilespmem:s30+$0x1960] =	vst v3;
	v3 =	vld [tilespmem:s30+$0x19D0]  }
0xbc: {  	s31 =	simm.s32 $0x400;
	v5 =	vmul.f32 $8.000000000e+00, v9;
	[tilespmem:s30+$0x1970] =	vst v4;
	v4 =	vld [tilespmem:s30+$0x19E0]  }
.LBB2_9:
0xbd: {  	s1 =	sshra.s32 s31, $0x2;
	p0 =	sne.s32 s31, $0x7C00;
	[tilespmem:s30+$0x1980] =	vst v6;
	v1 =	vmul.f32 $8.000000000e+00, v1;
	v6 =	vld [tilespmem:s30+$0x19F0]  }
0xbe: {  	v7 =	vld [tilespmem:s1+$0x1900];
	[tilespmem:s30+$0x1990] =	vst v5;
	v0 =	vmul.f32 $8.000000000e+00, v0  }
0xbf: {  	v5 =	vld [tilespmem:s1+$0x1910];
	[tilespmem:s30+$0x19A0] =	vst v1;
	v1 =	vmul.f32 $8.000000000e+00, v2  }
0xc0: {  	v2 =	vld [tilespmem:s1+$0x1920];
	[tilespmem:s30+$0x19B0] =	vst v0;
	v0 =	vmul.f32 $8.000000000e+00, v3  }
0xc1: {  	v3 =	vld [tilespmem:s1+$0x1930];
	[tilespmem:s30+$0x19C0] =	vst v1;
	v1 =	vmul.f32 $8.000000000e+00, v4  }
0xc2: {  	v4 =	vld [tilespmem:s1+$0x1940];
	[tilespmem:s30+$0x19D0] =	vst v0;
	v0 =	vmul.f32 $8.000000000e+00, v6  }
0xc3: {  	v6 =	vmul.f32 $8.000000000e+00, v7;
	v7 =	vld [tilespmem:s1+$0x1950];
	[tilespmem:s30+$0x19E0] =	vst v1  }
0xc4: {  	v1 =	vmul.f32 $8.000000000e+00, v5;
	v5 =	vld [tilespmem:s1+$0x1960];
	[tilespmem:s30+$0x19F0] =	vst v0;
	s30 =	smov.u32 s1  }
0xc5: {  	[tilespmem:s30+$0x1900] =	vst v6;
	v0 =	vmul.f32 $8.000000000e+00, v2;
	v2 =	vld [tilespmem:s30+$0x1970]  }
0xc6: {  	[tilespmem:s30+$0x1910] =	vst v1;
	v1 =	vmul.f32 $8.000000000e+00, v3;
	v3 =	vld [tilespmem:s30+$0x1980]  }
0xc7: {  	[tilespmem:s30+$0x1920] =	vst v0;
	v0 =	vmul.f32 $8.000000000e+00, v4;
	v4 =	vld [tilespmem:s30+$0x1990]  }
.Ltmp5:
0xc8: {  	[tilespmem:s30+$0x1930] =	vst v1;
	v6 =	vmul.f32 $8.000000000e+00, v7;
	v1 =	vld [tilespmem:s30+$0x19A0];
	(pc) =	sbr.rel @p0 .LBB2_9-.Ltmp5, $4  }
0xc9: {  	[tilespmem:s30+$0x1940] =	vst v0;
	v5 =	vmul.f32 $8.000000000e+00, v5;
	v0 =	vld [tilespmem:s30+$0x19B0]  }
0xca: {  	[tilespmem:s30+$0x1950] =	vst v6;
	v7 =	vmul.f32 $8.000000000e+00, v2;
	v2 =	vld [tilespmem:s30+$0x19C0]  }
0xcb: {  	[tilespmem:s30+$0x1960] =	vst v5;
	v6 =	vmul.f32 $8.000000000e+00, v3;
	v3 =	vld [tilespmem:s30+$0x19D0]  }
0xcc: {  	s31 =	sadd.s32 $0x400, s31;
	[tilespmem:s30+$0x1970] =	vst v7;
	v5 =	vmul.f32 $8.000000000e+00, v4;
	v4 =	vld [tilespmem:s30+$0x19E0]  }
0xcd: {  	[tilespmem:s30+$0x1980] =	vst v6;
	v1 =	vmul.f32 $8.000000000e+00, v1;
	v6 =	vld [tilespmem:s30+$0x19F0]  }
0xce: {  	[tilespmem:s30+$0x1990] =	vst v5;
	v0 =	vmul.f32 $8.000000000e+00, v0  }
0xcf: {  	[tilespmem:s30+$0x19A0] =	vst v1;
	v1 =	vmul.f32 $8.000000000e+00, v2  }
0xd0: {  	[tilespmem:s30+$0x19B0] =	vst v0;
	v0 =	vmul.f32 $8.000000000e+00, v3  }
0xd1: {  	[tilespmem:s30+$0x19C0] =	vst v1;
	v1 =	vmul.f32 $8.000000000e+00, v4  }
0xd2: {  	s1 =	sadd.s32 s28, s9;
	[tilespmem:s30+$0x19D0] =	vst v0;
	v0 =	vmul.f32 $8.000000000e+00, v6  }
0xd3: {  	s1 =	sshrl.u32 s1, $0x3;
	[tilespmem:s30+$0x19E0] =	vst v1  }
0xd4: {  	p0 =	seq.s32 s26, $0xF;
	s1 =	sadd.s32 s2, s1;
	[tilespmem:s30+$0x19F0] =	vst v0  }
0xd5: {  	[hbm4b:s1+s3] =	stream.linear.scatter [tilespmem:s14], [sflag:$0x4], $0x2000, $0x38;
	[tilespmem:$0x7900] =	vst v63  }
0xd6: {  	s1 =	simm.s32 @!p0 $0x6  }
0xd7: {  	_ =	swait.ge @!p0 [sflag:s1], $0x2000  }
0xd8: {  	s31 =	simm.s32 @!p0 $0x5900;
	[sflag:s1] =	ssyncset.done @!p0 $0x0  }
0xd9: {  	s30 =	simm.s32 @!p0 $0x80;
	[sflag:s1] =	ssyncadd.s32 @!p0 $0xFFFFE000;
	s1 =	sadd.s32 @!p0 $0x280, s29  }
0xda: {  	[tilespmem:s31], [sflag:$0x3] =	stream.indirect.gather @!p0 [hbm4b:s4+s30], $0x40, s1, s30, $0xb8;
	[tilespmem:$0x7900] =	vst v63  }
0xdb: {  	_ =	swait.ge [sflag:s19], $0x2000  }
0xdc: {  	[sflag:s19] =	ssyncset.done $0x0  }
0xdd: {  	s30 =	simm.s32 $0x0;
	[sflag:s19] =	ssyncadd.s32 $0xFFFFE000  }
0xde: {  	v0 =	vld [tilespmem:s30+$0x3900]  }
0xdf: {  	v1 =	vld [tilespmem:s30+$0x3910]  }
0xe0: {  	v2 =	vld [tilespmem:s30+$0x3920]  }
0xe1: {  	v3 =	vld [tilespmem:s30+$0x3930]  }
0xe2: {  	v4 =	vld [tilespmem:s30+$0x3940]  }
0xe3: {  	v5 =	vld [tilespmem:s30+$0x3950];
	v0 =	vmul.f32 $8.000000000e+00, v0  }
0xe4: {  	v6 =	vld [tilespmem:s30+$0x3960];
	v1 =	vmul.f32 $8.000000000e+00, v1  }
0xe5: {  	v7 =	vld [tilespmem:s30+$0x3970];
	[tilespmem:s30+$0x3900] =	vst v0;
	v0 =	vmul.f32 $8.000000000e+00, v2  }
0xe6: {  	v8 =	vld [tilespmem:s30+$0x3980];
	[tilespmem:s30+$0x3910] =	vst v1;
	v1 =	vmul.f32 $8.000000000e+00, v3  }
0xe7: {  	v9 =	vld [tilespmem:s30+$0x3990];
	[tilespmem:s30+$0x3920] =	vst v0;
	v0 =	vmul.f32 $8.000000000e+00, v4  }
0xe8: {  	v2 =	vmul.f32 $8.000000000e+00, v5;
	[tilespmem:s30+$0x3930] =	vst v1;
	v1 =	vld [tilespmem:s30+$0x39A0]  }
0xe9: {  	v3 =	vmul.f32 $8.000000000e+00, v6;
	[tilespmem:s30+$0x3940] =	vst v0;
	v0 =	vld [tilespmem:s30+$0x39B0]  }
0xea: {  	[tilespmem:s30+$0x3950] =	vst v2;
	v2 =	vld [tilespmem:s30+$0x39C0];
	v4 =	vmul.f32 $8.000000000e+00, v7  }
0xeb: {  	v6 =	vmul.f32 $8.000000000e+00, v8;
	[tilespmem:s30+$0x3960] =	vst v3;
	v3 =	vld [tilespmem:s30+$0x39D0]  }
0xec: {  	s31 =	simm.s32 $0x400;
	v5 =	vmul.f32 $8.000000000e+00, v9;
	[tilespmem:s30+$0x3970] =	vst v4;
	v4 =	vld [tilespmem:s30+$0x39E0]  }
.LBB2_11:
0xed: {  	s1 =	sshra.s32 s31, $0x2;
	p1 =	sne.s32 s31, $0x7C00;
	[tilespmem:s30+$0x3980] =	vst v6;
	v1 =	vmul.f32 $8.000000000e+00, v1;
	v6 =	vld [tilespmem:s30+$0x39F0]  }
0xee: {  	v7 =	vld [tilespmem:s1+$0x3900];
	[tilespmem:s30+$0x3990] =	vst v5;
	v0 =	vmul.f32 $8.000000000e+00, v0  }
0xef: {  	v5 =	vld [tilespmem:s1+$0x3910];
	[tilespmem:s30+$0x39A0] =	vst v1;
	v1 =	vmul.f32 $8.000000000e+00, v2  }
0xf0: {  	v2 =	vld [tilespmem:s1+$0x3920];
	[tilespmem:s30+$0x39B0] =	vst v0;
	v0 =	vmul.f32 $8.000000000e+00, v3  }
0xf1: {  	v3 =	vld [tilespmem:s1+$0x3930];
	[tilespmem:s30+$0x39C0] =	vst v1;
	v1 =	vmul.f32 $8.000000000e+00, v4  }
0xf2: {  	v4 =	vld [tilespmem:s1+$0x3940];
	[tilespmem:s30+$0x39D0] =	vst v0;
	v0 =	vmul.f32 $8.000000000e+00, v6  }
0xf3: {  	v6 =	vmul.f32 $8.000000000e+00, v7;
	v7 =	vld [tilespmem:s1+$0x3950];
	[tilespmem:s30+$0x39E0] =	vst v1  }
0xf4: {  	v1 =	vmul.f32 $8.000000000e+00, v5;
	v5 =	vld [tilespmem:s1+$0x3960];
	[tilespmem:s30+$0x39F0] =	vst v0;
	s30 =	smov.u32 s1  }
0xf5: {  	[tilespmem:s30+$0x3900] =	vst v6;
	v0 =	vmul.f32 $8.000000000e+00, v2;
	v2 =	vld [tilespmem:s30+$0x3970]  }
0xf6: {  	[tilespmem:s30+$0x3910] =	vst v1;
	v1 =	vmul.f32 $8.000000000e+00, v3;
	v3 =	vld [tilespmem:s30+$0x3980]  }
0xf7: {  	[tilespmem:s30+$0x3920] =	vst v0;
	v0 =	vmul.f32 $8.000000000e+00, v4;
	v4 =	vld [tilespmem:s30+$0x3990]  }
.Ltmp6:
0xf8: {  	[tilespmem:s30+$0x3930] =	vst v1;
	v6 =	vmul.f32 $8.000000000e+00, v7;
	v1 =	vld [tilespmem:s30+$0x39A0];
	(pc) =	sbr.rel @p1 .LBB2_11-.Ltmp6, $4  }
0xf9: {  	[tilespmem:s30+$0x3940] =	vst v0;
	v5 =	vmul.f32 $8.000000000e+00, v5;
	v0 =	vld [tilespmem:s30+$0x39B0]  }
0xfa: {  	[tilespmem:s30+$0x3950] =	vst v6;
	v7 =	vmul.f32 $8.000000000e+00, v2;
	v2 =	vld [tilespmem:s30+$0x39C0]  }
0xfb: {  	[tilespmem:s30+$0x3960] =	vst v5;
	v6 =	vmul.f32 $8.000000000e+00, v3;
	v3 =	vld [tilespmem:s30+$0x39D0]  }
0xfc: {  	s31 =	sadd.s32 $0x400, s31;
	[tilespmem:s30+$0x3970] =	vst v7;
	v5 =	vmul.f32 $8.000000000e+00, v4;
	v4 =	vld [tilespmem:s30+$0x39E0]  }
0xfd: {  	[tilespmem:s30+$0x3980] =	vst v6;
	v1 =	vmul.f32 $8.000000000e+00, v1;
	v59 =	vld [tilespmem:s30+$0x39F0]  }
0xfe: {  	[tilespmem:s30+$0x3990] =	vst v5;
	v0 =	vmul.f32 $8.000000000e+00, v0  }
0xff: {  	[tilespmem:s30+$0x39A0] =	vst v1;
	v60 =	vmul.f32 $8.000000000e+00, v2  }
0x100: {  	[tilespmem:s30+$0x39B0] =	vst v0;
	v61 =	vmul.f32 $8.000000000e+00, v3  }
.Ltmp7:
0x101: {  	[tilespmem:s30+$0x39C0] =	vst v60;
	v62 =	vmul.f32 $8.000000000e+00, v4;
	(pc) =	sbr.rel @p0 .LBB2_14-.Ltmp7, $4  }
0x102: {  	s1 =	sadd.s32 s28, s10;
	[tilespmem:s30+$0x39D0] =	vst v61;
	v63 =	vmul.f32 $8.000000000e+00, v59  }
0x103: {  	s1 =	sshrl.u32 s1, $0x3;
	[tilespmem:s30+$0x39E0] =	vst v62  }
0x104: {  	s1 =	sadd.s32 s2, s1;
	[tilespmem:s30+$0x39F0] =	vst v63  }
0x105: {  	[hbm4b:s1+s3] =	stream.linear.scatter [tilespmem:s15], [sflag:$0x5], $0x2000, $0x38;
	[tilespmem:$0x7900] =	vst v63  }
.Ltmp8:
0x106: {  	(pc) =	sbr.rel .LBB2_6-.Ltmp8, $4  }
0x107: {  	_ =	swait.ge [sflag:s20], $0x2000  }
0x108: {  	[sflag:s20] =	ssyncset.done $0x0  }
0x109: {  	s1 =	sadd.s32 $0x300, s29;
	s26 =	sadd.s32 $0x1, s26;
	[sflag:s20] =	ssyncadd.s32 $0xFFFFE000  }
0x10a: {  	[tilespmem:s14], [sflag:$0x1] =	stream.indirect.gather [hbm4b:s4+s13], $0x40, s1, s13, $0xb8;
	[tilespmem:$0x7900] =	vst v63  }
.LBB2_15:
0x10b: {  	_ =	sfence.sel $0x180000  }
0x10c: {  	[bflag:$0x0] =	sbarrier.arrive $0xFFFF  }
0x10d: {  	_ =	strace $0x90000047  }
0x10e: {  	[bflag:$0x2] =	sbarrier.arrive $0xFFFF  }
0x10f: {  	p0 =	sne.s32 s0, $0x0;
	s0 =	rddreg [dreg:$0x2]  }
0x110: {  	s0 =	sadd.s32 @!p0 $0x100000, s0  }
0x111: {  	[sflag:s0] =	ssyncadd.tile.s32 @!p0 $0x1;
	_ =	shalt  }
.Lfunc_end2:
_tile_overlayer_lowered:
.L_overlay_start_2:
0x112: {  	(tag) =	ssettag $0x2  }
0x113: {  	s0 =	rddreg [dreg:$0x0];
	s2 =	stileid.u32  }
0x114: {  	s1 =	rddreg [dreg:$0x1];
	p0 =	sne.s32 s2, $0x0  }
0x115: {  	s3 =	rddreg [dreg:$0x2];
	[bflag:$0x3] =	sbarrier.arrive $0xFFFF;
	s2 =	simm.s32 @!p0 $0x1C07  }
0x116: {  	[timem:s3], [sflag:s2] =	dma.local @!p0 [hbm:s0], s1  }
0x117: {  	s0 =	simm.s32 @!p0 $0x7  }
0x118: {  	_ =	swait.ge @!p0 [sflag:s0], s1  }
0x119: {  	s1 =	ssub.s32 @!p0 $0x0, s1;
	[sflag:s0] =	ssyncset.done @!p0 $0x0  }
0x11a: {  	[sflag:s0] =	ssyncadd.s32 @!p0 s1  }
0x11b: {  	[bflag:$0x3] =	sbarrier.arrive $0xFFFF  }
0x11c: {  	_ =	shalt  }

// kernel: sparse-core-data-format-call.cloned.1.call-start
scs
called_computation_lowered:
.L_overlay_start_0:
0x0: {  	s2 =	sld [smem:$0x3FD9]  }
0x1: {  	s3 =	sld [smem:$0x3FFE];
	_ =	sdelay $0x1  }
0x2: {  	s1 =	srdreg.scid  }
0x3: {  	s0 =	sand.u32 $0x1, s1  }
0x4: {  	s18 =	sshll.u32 s0, $0xA;
	s2 =	sadd.s32 s3, s2  }
0x5: {  	s2 =	sadd.s32 s2, s18  }
0x6: {  	[smem:$0x3FC6] =	sst s2  }
0x7: {  	_ = 	snop  }
0x8: {  	s2 =	sld [smem:$0x3FD0];
	(tm) =	ssettm $0x1  }
0x9: {  	s19 =	sld [smem:$0x3FFB];
	_ =	sdelay $0x3  }
0xa: {  	_ =	strace s19  }
0xb: {  	s3 =	sld [smem:$0x3FFC];
	_ =	sdelay $0x3  }
0xc: {  	_ =	strace s3  }
0xd: {  	s3 =	sld [smem:$0x3FFD];
	_ =	sdelay $0x3  }
0xe: {  	_ =	strace s3  }
0xf: {  	_ =	strace $0x8FFFFFFF  }
0x10: {  	s20 =	sld [smem:$0x3FDB];
	_ =	sdelay $0x1  }
0x11: {  	s4 =	simm.s32 $_scs_section_size  }
0x12: {  	s5 =	simm.s32 $_size__tile_overlayer_lowered;
	s6 =	simm.s32 $_tile_overlayer_lowered  }
0x13: {  	s23 =	simm.s32 $0x1BFF;
	s22 =	sshll.u32 s6, $0x1;
	s3 =	sadd.s32 s4, s20  }
0x14: {  	s7 =	simm.s32 $0x0;
	s21 =	sshll.u32 s5, $0x1;
	s5 =	sadd.s32 s22, s3  }
0x15: {  	[timem:s7], [sflag:s23] =	dma.local [hbm:s5], s21  }
0x16: {  	_ =	swait.ge [sflag:s23], s21  }
0x17: {  	s4 =	ssub.s32 $0x0, s21;
	[sflag:s23] =	ssyncset.done $0x0  }
0x18: {  	[sflag:s23] =	ssyncadd.s32 s4;
	_ =	sdelay $0x1  }
0x19: {  	s24 =	simm.s32 $0x1B8B  }
0x1a: {  	_ =	swait.ge [sflag:s24], $0x1  }
0x1b: {  	[sflag:s24] =	ssyncset.done $0x0  }
0x1c: {  	s26 =	simm.s32 $0x1B8E;
	s25 =	sld [smem:$0x3FFE];
	[sflag:s24] =	ssyncadd.s32 $0xFFFFFFFF  }
0x1d: {  	s27 =	simm.s32 $execute0_lowered;
	[smem:$0x3FD2] =	sst s26  }
0x1e: {  	s5 =	sshll.u32 s27, $0x1;
	_ =	strace $0x80000049;
	[dreg:$0x1] =	wrdreg $0xFFFFFFFF  }
0x1f: {  	s28 =	simm.s32 $_size_execute0_lowered;
	s3 =	sadd.s32 s3, s5;
	[dreg:$0x0] =	wrdreg $0x0  }
0x20: {  	s5 =	sshll.u32 s28, $0x1;
	[dreg:$0x2] =	wrdreg s3  }
0x21: {  	[dreg:$0x3] =	wrdreg s5  }
0x22: {  	[dreg:$0x4] =	wrdreg $0xC0  }
0x23: {  	_ =	task [dreg:s7], $0x5FFFF  }
0x24: {  	[dreg:$0x1] =	wrdreg $0xFFFFFFFF  }
0x25: {  	[dreg:$0x0] =	wrdreg $0x60  }
0x26: {  	[dreg:$0x2] =	wrdreg s25  }
0x27: {  	[dreg:$0x3] =	wrdreg s2  }
0x28: {  	[dreg:$0x4] =	wrdreg $0x9  }
0x29: {  	_ =	task.clear_ibuf [dreg:s7], $0x5FFFF;
	_ =	strace $0x90000049  }
0x2a: {  	s29 =	simm.s32 $0x9;
	_ =	strace $0x8000004B  }
0x2b: {  	_ =	swait.ge [sflag:s29], $0x1  }
0x2c: {  	[sflag:s29] =	ssyncadd.s32 $0xFFFFFFFF  }
0x2d: {  	_ =	strace $0x9000004B  }
0x2e: {  	_ =	sfence  }
0x2f: {  	s30 =	sld [smem:$0x0];
	_ =	sdelay $0x2  }
0x30: {  	s31 =	sshll.u32 s1, $0xD;
	s1 =	sshrl.u32 s1, $0x2  }
0x31: {  	s3 =	sand.u32 $0x4000, s31;
	s1 =	sadd.s32 s1, s30  }
0x32: {  	s0 =	sor.u32 s3, s0;
	s1 =	sshll.u32 s1, $0x11  }
0x33: {  	s0 =	sor.u32 s1, s0  }
0x34: {  	s0 =	sadd.s32 $0x8F2B, s0  }
0x35: {  	[sflag:s0] =	ssyncadd.remote.s32 $0x1  }
0x36: {  	_ =	sfence.sel $0xFFFF  }
0x37: {  	[dreg:$0x0] =	wrdreg $0xFFFFFFFF;
	(pc) =	sbr.abs _section_cstart, $3  }
0x38: {  	[dreg:$0x1] =	wrdreg $0xFFFFFFFF  }
0x39: {  	_ =	task.clear_ibuf [dreg:s7], $0x2FFFF;
	_ =	strace $0x9FFFFFFF  }
0x3a: {  	(tm) =	ssettm $0x7FFFFFFF  }
0x3b: {  	_ =	shalt  }
tec
execute0_lowered:
.L_overlay_start_1:
0x0: {  	(tag) =	ssettag $0x1  }
0x1: {  	s0 =	srdreg.scid  }
0x2: {  	s1 =	sshll.u32 s0, $0x4  }
0x3: {  	s0 =	stileid.u32;
	s1 =	sand.u32 $0x10, s1  }
0x4: {  	s1 =	sor.u32 s0, s1  }
0x5: {  	s6 =	rddreg [dreg:$0x0];
	s4 =	simm.s32 $0x1;
	s2 =	sshll.u32 s1, $0x7  }
0x6: {  	s7 =	simm.s32 $0x2;
	s12 =	simm.s32 $0x0;
	s1 =	ssub.s32 $0x1000, s2  }
0x7: {  	s8 =	simm.s32 $0x8000;
	s13 =	simm.s32 $0x0;
	s3 =	sand.u32 $0xF80, s1  }
0x8: {  	s9 =	simm.s32 $0x0;
	s5 =	sshrl.u32 s1, $0xC;
	p0 =	sne.s32 s3, $0x0  }
.Ltmp0:
0x9: {  	s1 =	rddreg [dreg:$0x2];
	s4 =	simm.s32 @!p0 $0x0;
	(pc) =	sbr.rel .LBB1_1-.Ltmp0, $4  }
0xa: {  	s11 =	simm.s32 $0x0;
	s3 =	rddreg [dreg:$0x1];
	s5 =	sadd.s32 s4, s5  }
0xb: {  	_ =	strace $0x8000004A;
	s4 =	simm.s32 $0x1;
	s5 =	smul.u32 $0x32, s5  }
0xc: {  	s6 =	sadd.s32 $0xA00, s6;
	s10 =	smov.u32 s2;
	[sflag:s4] =	ssyncpa.u1 $0x0  }
0xd: {  	p0 =	por $0x0, $0x0;
	[sflag:s7] =	ssyncpa.u1 $0x0;
	s7 =	sor.u32 $0x1, s5  }
.LBB1_4:
0xe: {  	s16 =	sshll.u32 s13, $0x3;
	s17 =	sand.u32 $0x78, s13  }
0xf: {  	s30 =	sand.u32 $0x7E00, s13;
	s12 =	sshll.u32 s12, $0xF;
	s16 =	sand.u32 $0xC00, s16  }
0x10: {  	[tilespmem:s15+$0x810 ss:$0x81] =	vst.msk $0xffff, v2;
	s31 =	sand.u32 $0x7, s13;
	s16 =	sor.u32 s17, s16;
	s17 =	sadd.s32 s3, s30  }
0x11: {  	[tilespmem:s15+$0x1020 ss:$0x81] =	vst.msk $0xffff, v0;
	s13 =	sshll.u32 s31, $0x12;
	s12 =	sadd.s32 s12, s17;
	s16 =	sshrl.u32 s16, $0x3  }
0x12: {  	[tilespmem:s15+$0x0 ss:$0x81] =	vst.msk $0xffff, v1;
	s13 =	sor.u32 $0x400, s13;
	s12 =	sadd.s32 s16, s12  }
0x13: {  	[hbm4b:s12+s13] =	stream.strided.scatter [tilespmem:s14], [sflag:$0x2], $0x2000, s8, s13, $0x20;
	[tilespmem:$0x8080] =	vst v63  }
.LBB1_5:
0x14: {  	s14 =	sadd.s32 $0x1, s9  }
0x15: {  	s12 =	sadd.s32 $0x1000, s10;
	s16 =	smov.u32 s10;
	p2 =	sgt.s32 s14, $0x31  }
0x16: {  	s16 =	smov.u32 @p2 s12  }
0x17: {  	s14 =	simm.s32 @p2 $0x0;
	p2 =	sgt.s32 s16, $0xFFF  }
0x18: {  	s16 =	smov.u32 @p2 s2;
	p2 =	sne.s32 s11, s7  }
.Ltmp1:
0x19: {  	p1 =	slt.u32 s11, $0x2;
	(pc) =	sbr.rel @!p2 .LBB1_6-.Ltmp1, $4  }
0x1a: {  	s15 =	simm.s32 @!p1 $0x2  }
0x1b: {  	s13 =	smov.u32 s10;
	p0 =	por !p0, !p0;
	_ =	swait.ge @!p1 [sflag:s15], $0x2000  }
0x1c: {  	s12 =	smov.u32 s9;
	[sflag:s15] =	ssyncset.done @!p1 $0x0;
	s9 =	smov.u32 s14  }
0x1d: {  	s11 =	sadd.s32 $0x1, s11;
	[sflag:s15] =	ssyncadd.s32 @!p1 $0xFFFFE000;
	s10 =	smov.u32 s16  }
.LBB1_1:
0x1e: {  	p1 =	sge.u32 s11, s5  }
0x1f: {  	s14 =	sand.u32 @!p1 $0x1FFFFFF, s9  }
0x20: {  	s15 =	smulhi.u32 @!p1 $0x4924925, s14;
	_ =	sdelay $0x1  }
0x21: {  	s15 =	smul.u32 @!p1 $0x38, s15  }
0x22: {  	s16 =	sxor.u32 @!p1 $0xFFFFFFFF, s11;
	s17 =	smul.u32 @!p1 $0x380, s10  }
0x23: {  	s31 =	sadd.s32 $0xFFFFFFFF, s11;
	s16 =	sshll.u32 @!p1 s16, $0xD;
	s14 =	ssub.s32 @!p1 s14, s15  }
0x24: {  	s15 =	sand.u32 @!p1 $0x2000, s16;
	s16 =	sadd.s32 @!p1 s6, s17;
	s14 =	sshll.u32 @!p1 s14, $0x4  }
0x25: {  	s17 =	simm.s32 @!p1 $0x1C00;
	s14 =	sadd.s32 @!p1 s14, s16;
	s16 =	simm.s32 @!p1 $0x40  }
0x26: {  	[tilespmem:s15], [sflag:$0x1] =	stream.strided.gather @!p1 [hbm4b:s14+s16], $0x2000, s17, s16, $0x38;
	[tilespmem:$0x8080] =	vst v63  }
0x27: {  	p1 =	sge.u32 s31, s5  }
.Ltmp2:
0x28: {  	_ = 	snop;
	(pc) =	sbr.rel @p1 .LBB1_5-.Ltmp2, $1  }
0x29: {  	_ =	sdelay $0x3  }
0x2a: {  	s14 =	simm.s32 $0x1  }
0x2b: {  	_ =	swait.ge [sflag:s4], $0x2000;
	s14 =	simm.s32 @!p0 $0x0  }
0x2c: {  	[sflag:s4] =	ssyncset.done $0x0;
	s15 =	sshll.u32 s14, $0xD  }
0x2d: {  	[sflag:s4] =	ssyncadd.s32 $0xFFFFE000;
	s18 =	sor.u32 $0x20, s15  }
0x2e: {  	s14 =	smul.u32 $0x8100, s14;
	v3 =	vld [tilespmem:s18+$0x10]  }
0x2f: {  	s30 =	sand.u32 $0x1, s11;
	v2 =	vld [tilespmem:s18+$0xFFFFFFF0]  }
0x30: {  	s15 =	smul.u32 $0x8100, s30;
	s14 =	sshrl.u32 s14, $0x2;
	v0 =	vld [tilespmem:s18+$0x0]  }
0x31: {  	v1 =	vld [tilespmem:s18+$0xFFFFFFE0];
	s16 =	sor.u32 $0x4000, s14  }
0x32: {  	s31 =	sshrl.u32 s15, $0x2;
	s15 =	sadd.s32 $0x0, s16  }
0x33: {  	s17 =	simm.s32 $0x4;
	s18 =	sadd.s32 $0x40, s18;
	s14 =	sor.u32 $0x4000, s31;
	[tilespmem:s15+$0x1830 ss:$0x81] =	vst.msk $0xffff, v3  }
.LBB1_3:
0x34: {  	v3 =	vld [tilespmem:s18+$0x10];
	p1 =	sne.s32 s17, $0x1FC;
	[tilespmem:s15+$0x810 ss:$0x81] =	vst.msk $0xffff, v2;
	s19 =	smov.u32 s17;
	s17 =	sadd.s32 $0x4, s17  }
.Ltmp3:
0x35: {  	v2 =	vld [tilespmem:s18+$0xFFFFFFF0];
	[tilespmem:s15+$0x1020 ss:$0x81] =	vst.msk $0xffff, v0;
	(pc) =	sbr.rel @p1 .LBB1_3-.Ltmp3, $4  }
0x36: {  	v0 =	vld [tilespmem:s18+$0x0];
	[tilespmem:s15+$0x0 ss:$0x81] =	vst.msk $0xffff, v1  }
0x37: {  	s15 =	sshra.s32 s19, $0x2;
	v1 =	vld [tilespmem:s18+$0xFFFFFFE0]  }
0x38: {  	s15 =	sadd.s32 s15, s16  }
0x39: {  	s18 =	sadd.s32 $0x40, s18;
	[tilespmem:s15+$0x1830 ss:$0x81] =	vst.msk $0xffff, v3  }
.Ltmp4:
0x3a: {  	_ = 	snop;
	(pc) =	sbr.rel .LBB1_4-.Ltmp4, $1  }
0x3b: {  	_ =	sdelay $0x3  }
.LBB1_6:
0x3c: {  	_ =	sfence.sel $0x180000  }
0x3d: {  	s2 =	simm.s32 $0x1;
	[bflag:$0x0] =	sbarrier.arrive $0xFFFF  }
0x3e: {  	s31 =	simm.s32 $0x2;
	[sflag:s2] =	ssyncpa.u1 $0x1  }
0x3f: {  	[sflag:s31] =	ssyncpa.u1 $0x1  }
0x40: {  	p0 =	sne.s32 s0, $0x0;
	_ =	strace $0x9000004A  }
0x41: {  	s0 =	sadd.s32 @!p0 $0x100000, s1;
	[bflag:$0x2] =	sbarrier.arrive $0xFFFF  }
0x42: {  	[sflag:s0] =	ssyncadd.tile.s32 @!p0 $0x1;
	_ =	shalt  }
.Lfunc_end1:
_tile_overlayer_lowered:
.L_overlay_start_2:
0x43: {  	(tag) =	ssettag $0x2  }
0x44: {  	s0 =	rddreg [dreg:$0x0];
	s2 =	stileid.u32  }
0x45: {  	s1 =	rddreg [dreg:$0x1];
	p0 =	sne.s32 s2, $0x0  }
0x46: {  	s3 =	rddreg [dreg:$0x2];
	[bflag:$0x3] =	sbarrier.arrive $0xFFFF;
	s2 =	simm.s32 @!p0 $0x1C01  }
0x47: {  	[timem:s3], [sflag:s2] =	dma.local @!p0 [hbm:s0], s1  }
0x48: {  	s0 =	simm.s32 @!p0 $0x1  }
0x49: {  	_ =	swait.ge @!p0 [sflag:s0], s1  }
0x4a: {  	s1 =	ssub.s32 @!p0 $0x0, s1;
	[sflag:s0] =	ssyncset.done @!p0 $0x0  }
0x4b: {  	[sflag:s0] =	ssyncadd.s32 @!p0 s1  }
0x4c: {  	[bflag:$0x3] =	sbarrier.arrive $0xFFFF  }
0x4d: {  	_ =	shalt  }

</sc_bundles>
